<compile_context>
chip_gen: v7x
topology: tpu7x:2x2x1
jax: 0.10.2.dev20260603
libtpu: 0.0.44.dev20260713+nightly
codegen_flags: <defaults>
</compile_context>

<pallas_src>
import functools

import jax
import jax.numpy as jnp
from jax import lax
from jax.experimental import pallas as pl
from jax.experimental.pallas import tpu as pltpu
from jax.experimental.pallas import tpu_sc as plsc

NC = 2
NS = 16
NW = NC * NS
CH = 128
L = 16


def _sc_mesh():
    return plsc.VectorSubcoreMesh(core_axis_name="c", subcore_axis_name="s")


def _make_deg_kernel(n_pad, cpt_a, cpt_loop):
    rps = n_pad // NS

    @functools.partial(
        pl.kernel,
        out_type=jax.ShapeDtypeStruct((NC, n_pad), jnp.float32),
        mesh=_sc_mesh(),
        scratch_types=[
            pltpu.VMEM((cpt_a, CH), jnp.int32),
            pltpu.VMEM((CH,), jnp.float32),
            pltpu.VMEM((rps,), jnp.float32),
            pltpu.VMEM_SHARED((n_pad,), jnp.float32),
        ],
        compiler_params=pltpu.CompilerParams(use_tc_tiling_on_sc=False),
    )
    def deg_kernel(dst_hbm, out_hbm, dst_v, ones_v, zero_v, acc):
        c = lax.axis_index("c")
        s = lax.axis_index("s")
        wid = s * NC + c

        ones16 = jnp.ones((L,), jnp.float32)
        zero16 = jnp.zeros((L,), jnp.float32)
        for j in range(CH // L):
            ones_v[pl.ds(j * L, L)] = ones16

        def zfill(i, carry):
            zero_v[pl.ds(i * L, L)] = zero16
            return carry

        lax.fori_loop(0, rps // L, zfill, 0)
        r0 = s * rps
        pltpu.sync_copy(zero_v, acc.at[pl.ds(r0, rps)])
        plsc.subcore_barrier()

        pltpu.sync_copy(dst_hbm.at[wid], dst_v)

        def body(j, carry):
            pltpu.sync_copy(ones_v, acc.at[dst_v.at[j]], add=True)
            return carry

        lax.fori_loop(0, cpt_loop, body, 0)
        plsc.subcore_barrier()
        pltpu.sync_copy(acc.at[pl.ds(r0, rps)], out_hbm.at[c, pl.ds(r0, rps)])

    return deg_kernel


def _make_hop_kernel(n_pad, cpt_e, feat):
    rps = n_pad // NS

    @functools.partial(
        pl.kernel,
        out_type=jax.ShapeDtypeStruct((NC, n_pad, feat), jnp.float32),
        mesh=_sc_mesh(),
        scratch_types=[
            pltpu.VMEM((cpt_e, CH), jnp.int32),
            pltpu.VMEM((cpt_e, CH), jnp.int32),
            pltpu.VMEM((CH, feat), jnp.float32),
            pltpu.VMEM((CH, feat), jnp.float32),
            pltpu.VMEM_SHARED((n_pad, feat), jnp.float32),
            pltpu.VMEM_SHARED((n_pad, feat), jnp.float32),
            pltpu.SemaphoreType.DMA,
            pltpu.SemaphoreType.DMA,
        ],
        compiler_params=pltpu.CompilerParams(use_tc_tiling_on_sc=False),
    )
    def hop_kernel(src_hbm, dst_hbm, g_hbm, out_hbm,
                   src_v, dst_v, r0_v, r1_v, acc, g_sh, sem_a, sem_b):
        c = lax.axis_index("c")
        s = lax.axis_index("s")
        wid = s * NC + c
        n = g_hbm.shape[0]

        zero16 = jnp.zeros((L,), jnp.float32)

        def zrow(i, carry):
            for j in range(feat // L):
                r0_v[i, pl.ds(j * L, L)] = zero16
            return carry

        lax.fori_loop(0, CH, zrow, 0)
        r0 = s * rps
        for b in range(rps // CH):
            pltpu.sync_copy(r0_v, acc.at[pl.ds(r0 + b * CH, CH)])

        gps = n // NS
        pltpu.sync_copy(g_hbm.at[pl.ds(s * gps, gps)],
                        g_sh.at[pl.ds(s * gps, gps)])

        pltpu.sync_copy(src_hbm.at[wid], src_v)
        pltpu.sync_copy(dst_hbm.at[wid], dst_v)
        plsc.subcore_barrier()

        pltpu.async_copy(g_sh.at[src_v.at[0]], r0_v, sem_a)
        pltpu.async_copy(g_sh.at[src_v.at[1]], r1_v, sem_b)

        def body(jj, carry):
            j = 2 * jj
            pltpu.make_async_copy(g_sh.at[src_v.at[j]], r0_v, sem_a).wait()
            pltpu.sync_copy(r0_v, acc.at[dst_v.at[j]], add=True)

            @pl.when(j + 2 < cpt_e)
            def _():
                pltpu.async_copy(g_sh.at[src_v.at[j + 2]], r0_v, sem_a)

            pltpu.make_async_copy(g_sh.at[src_v.at[j + 1]], r1_v, sem_b).wait()
            pltpu.sync_copy(r1_v, acc.at[dst_v.at[j + 1]], add=True)

            @pl.when(j + 3 < cpt_e)
            def _():
                pltpu.async_copy(g_sh.at[src_v.at[j + 3]], r1_v, sem_b)

            return carry

        lax.fori_loop(0, cpt_e // 2, body, 0)
        plsc.subcore_barrier()
        pltpu.sync_copy(acc.at[pl.ds(r0, rps)],
                        out_hbm.at[c, pl.ds(r0, rps)])

    return hop_kernel


def _tc_prep(x, w, deg_t):
    n, d = x.shape
    cc = w.shape[0]
    r = 2000

    def body(x_ref, w_ref, dg_ref, g0_ref, s1_ref, s2_ref):
        deg = jnp.sum(dg_ref[...], axis=1, keepdims=True) + 1.0
        dinv = lax.rsqrt(deg)
        y = lax.dot_general(x_ref[...], w_ref[...],
                            (((1,), (1,)), ((), ())),
                            preferred_element_type=jnp.float32)
        g0_ref[...] = y * dinv
        s1_ref[...] = dinv * dinv
        s2_ref[...] = dinv

    return pl.pallas_call(
        body,
        grid=(n // r,),
        in_specs=[
            pl.BlockSpec((r, d), lambda i: (i, 0)),
            pl.BlockSpec((cc, d), lambda i: (0, 0)),
            pl.BlockSpec((r, NC), lambda i: (i, 0)),
        ],
        out_specs=[
            pl.BlockSpec((r, cc), lambda i: (i, 0)),
            pl.BlockSpec((r, 1), lambda i: (i, 0)),
            pl.BlockSpec((r, 1), lambda i: (i, 0)),
        ],
        out_shape=[
            jax.ShapeDtypeStruct((n, cc), jnp.float32),
            jax.ShapeDtypeStruct((n, 1), jnp.float32),
            jax.ShapeDtypeStruct((n, 1), jnp.float32),
        ],
    )(x, w, deg_t)


def _tc_combine(parts, g, scale):
    n, cc = g.shape
    r = 2000

    def body(p_ref, g_ref, s_ref, o_ref):
        p = p_ref[0] + p_ref[1]
        o_ref[...] = s_ref[...] * (p + g_ref[...])

    return pl.pallas_call(
        body,
        grid=(n // r,),
        in_specs=[
            pl.BlockSpec((NC, r, cc), lambda i: (0, i, 0)),
            pl.BlockSpec((r, cc), lambda i: (i, 0)),
            pl.BlockSpec((r, 1), lambda i: (i, 0)),
        ],
        out_specs=pl.BlockSpec((r, cc), lambda i: (i, 0)),
        out_shape=jax.ShapeDtypeStruct((n, cc), jnp.float32),
    )(parts, g, scale)


def kernel(x, edge_index, w):
    n, _ = x.shape
    cc = w.shape[0]
    e = edge_index.shape[1]

    n_pad = -(-(n + 1) // (NS * CH)) * (NS * CH)
    cpt = -(-e // (NW * CH))
    cpt_e = -(-cpt // 4) * 4

    src = edge_index[0]
    dst = edge_index[1]
    pad = NW * cpt_e * CH - e
    srcp = jnp.concatenate([src, jnp.zeros((pad,), src.dtype)])
    dstp = jnp.concatenate([dst, jnp.full((pad,), n, dst.dtype)])
    src3 = srcp.reshape(NW, cpt_e, CH)
    dst3 = dstp.reshape(NW, cpt_e, CH)

    degp = _make_deg_kernel(n_pad, cpt_e, cpt_e)(dst3)
    deg_t = degp.T
    g0, sc1, sc2 = _tc_prep(x, w, deg_t)

    hop = _make_hop_kernel(n_pad, cpt_e, cc)
    p1 = hop(src3, dst3, g0)
    g1 = _tc_combine(p1, g0, sc1)
    p2 = hop(src3, dst3, g1)
    return _tc_combine(p2, g1, sc2)

# --- scband reference (transcript-rebuilt; emitter-appended) ---
"""Pipeline reference for scband-simple-gcn-19344532701770 (READ-ONLY COPY).

The authoritative reference and input builder live on the scoring server;
editing this copy changes nothing except your own understanding.
"""

import jax, jax.numpy as jnp
import numpy as np

N = 10000
E = 320000
D = 128
C = 64
K = 2


def setup_inputs(seed: int = 0) -> dict:
    key = jax.random.key(seed)
    k1, k2, k3 = jax.random.split(key, 3)
    x = jax.random.normal(k1, (N, D), dtype=jnp.float32)
    edge_index = jax.random.randint(k2, (2, E), 0, N, dtype=jnp.int32)
    # SGConv linear weight (bias=False): maps num_feats -> num_classes
    W = jax.random.normal(k3, (C, D), dtype=jnp.float32) / np.sqrt(D)
    return {"x": x, "edge_index": edge_index, "W": W}


def _sgc_forward(x, edge_index, W):
    # GCN normalization with self-loops (PyG gcn_norm), then K propagation steps,
    # then linear transform (lin_first=False, bn=False, dropout=0, bias=False).
    src = edge_index[0]
    dst = edge_index[1]
    loop = jnp.arange(N, dtype=edge_index.dtype)
    src2 = jnp.concatenate([src, loop])
    dst2 = jnp.concatenate([dst, loop])
    ew = jnp.ones(src2.shape[0], dtype=x.dtype)
    deg = jax.ops.segment_sum(ew, dst2, num_segments=N)
    dinv = jnp.where(deg > 0, jax.lax.rsqrt(jnp.maximum(deg, 1e-12)), 0.0)
    norm = dinv[src2] * dinv[dst2]
    h = x
    for _ in range(K):
        msgs = norm[:, None] * jnp.take(h, src2, axis=0)
        h = jax.ops.segment_sum(msgs, dst2, num_segments=N)
    return h @ W.T


def reference(x, edge_index, W):
    return _sgc_forward(x, edge_index, W)

if __name__ == "__main__":
    import jax
    _d = setup_inputs()
    print(jax.jit(kernel)(*tuple(_d.values())))

</pallas_src>

<mosaic_0001>
#map = affine_map<(d0, d1) -> (0, 0, 0)>
#map1 = affine_map<(d0, d1) -> (0, 0)>
module attributes {stable_mosaic.version = 14 : i64} {
  func.func @hop_kernel(%arg0: i32, %arg1: i32, %arg2: memref<32x80x128xi32, #tpu.memory_space<hbm>>, %arg3: memref<32x80x128xi32, #tpu.memory_space<hbm>>, %arg4: memref<10000x64xf32, #tpu.memory_space<hbm>>, %arg5: memref<2x10240x64xf32, #tpu.memory_space<hbm>>, %arg6: memref<80x128xi32, #tpu.memory_space<vmem>>, %arg7: memref<80x128xi32, #tpu.memory_space<vmem>>, %arg8: memref<128x64xf32, #tpu.memory_space<vmem>>, %arg9: memref<128x64xf32, #tpu.memory_space<vmem>>, %arg10: memref<10240x64xf32, #tpu.memory_space<vmem_shared>>, %arg11: memref<10240x64xf32, #tpu.memory_space<vmem_shared>>, %arg12: memref<!tpu.dma_semaphore, #tpu.memory_space<semaphore_mem>>, %arg13: memref<!tpu.dma_semaphore, #tpu.memory_space<semaphore_mem>>) attributes {dimension_semantics = [#tpu.dimension_semantics<core_parallel>, #tpu.dimension_semantics<subcore_parallel>], iteration_bounds = array<i64: 2, 16>, scalar_prefetch = 0 : i64, scratch_operands = 8 : i64, tpu.core_type = #tpu.core_type<sc_vector_subcore>, window_params = [{transform_indices = #map}, {transform_indices = #map}, {transform_indices = #map1}, {transform_indices = #map}]} {
    %mul3A = arith.constant 2 : i32
    %mul3A_0 = arith.muli %arg1, %mul3A : i32
    %add3A = arith.addi %mul3A_0, %arg0 : i32
    %broadcast_in_dim3A = arith.constant 0.000000e+00 : f32
    %broadcast_in_dim3A_1 = vector.broadcast %broadcast_in_dim3A : f32 to vector<16xf32>
    %scan3A = arith.constant 0 : i32
    %scan3A_2 = arith.constant 0 : i32
    %scan3A_3 = arith.constant 128 : i32
    %scan3A_4 = arith.addi %scan3A_2, %scan3A_3 : i32
    %scan3A_5 = arith.constant 1 : i32
    scf.for %scan3A_43 = %scan3A_2 to %scan3A_4 step %scan3A_5  : i32 {
      %swap3A = arith.index_cast %scan3A_43 : i32 to index
      %swap3A_44 = arith.constant 0 : index
      %swap3A_45 = tpu.vector_load %arg8[%swap3A, %swap3A_44] {strides = array<i32>} : memref<128x64xf32, #tpu.memory_space<vmem>>, vector<1x16xf32>,
      %swap3A_46 = vector.shape_cast %swap3A_45 : vector<1x16xf32> to vector<16xf32>
      %swap3A_47 = vector.shape_cast %broadcast_in_dim3A_1 : vector<16xf32> to vector<1x16xf32>
      tpu.vector_store %arg8[%swap3A, %swap3A_44], %swap3A_47 {strides = array<i32>} : memref<128x64xf32, #tpu.memory_space<vmem>>, vector<1x16xf32>,
      %swap3A_48 = arith.index_cast %scan3A_43 : i32 to index
      %swap3A_49 = arith.constant 16 : index
      %swap3A_50 = tpu.vector_load %arg8[%swap3A_48, %swap3A_49] {strides = array<i32>} : memref<128x64xf32, #tpu.memory_space<vmem>>, vector<1x16xf32>,
      %swap3A_51 = vector.shape_cast %swap3A_50 : vector<1x16xf32> to vector<16xf32>
      %swap3A_52 = vector.shape_cast %broadcast_in_dim3A_1 : vector<16xf32> to vector<1x16xf32>
      tpu.vector_store %arg8[%swap3A_48, %swap3A_49], %swap3A_52 {strides = array<i32>} : memref<128x64xf32, #tpu.memory_space<vmem>>, vector<1x16xf32>,
      %swap3A_53 = arith.index_cast %scan3A_43 : i32 to index
      %swap3A_54 = arith.constant 32 : index
      %swap3A_55 = tpu.vector_load %arg8[%swap3A_53, %swap3A_54] {strides = array<i32>} : memref<128x64xf32, #tpu.memory_space<vmem>>, vector<1x16xf32>,
      %swap3A_56 = vector.shape_cast %swap3A_55 : vector<1x16xf32> to vector<16xf32>
      %swap3A_57 = vector.shape_cast %broadcast_in_dim3A_1 : vector<16xf32> to vector<1x16xf32>
      tpu.vector_store %arg8[%swap3A_53, %swap3A_54], %swap3A_57 {strides = array<i32>} : memref<128x64xf32, #tpu.memory_space<vmem>>, vector<1x16xf32>,
      %swap3A_58 = arith.index_cast %scan3A_43 : i32 to index
      %swap3A_59 = arith.constant 48 : index
      %swap3A_60 = tpu.vector_load %arg8[%swap3A_58, %swap3A_59] {strides = array<i32>} : memref<128x64xf32, #tpu.memory_space<vmem>>, vector<1x16xf32>,
      %swap3A_61 = vector.shape_cast %swap3A_60 : vector<1x16xf32> to vector<16xf32>
      %swap3A_62 = vector.shape_cast %broadcast_in_dim3A_1 : vector<16xf32> to vector<1x16xf32>
      tpu.vector_store %arg8[%swap3A_58, %swap3A_59], %swap3A_62 {strides = array<i32>} : memref<128x64xf32, #tpu.memory_space<vmem>>, vector<1x16xf32>,
    }
    %scan3A_6 = arith.constant 128 : i32
    %mul3A_7 = arith.constant 640 : i32
    %mul3A_8 = arith.muli %arg1, %mul3A_7 : i32
    %add3A_9 = arith.constant 0 : i32
    %add3A_10 = arith.addi %mul3A_8, %add3A_9 : i32
    "tpu.region"() ({
      %run_scoped3A = tpu.sem_alloc : memref<!tpu.dma_semaphore, #tpu.memory_space<semaphore_mem>>
      %dma_start3A_43 = arith.constant 0 : i32
      %dma_start3A_44 = tpu.memref_slice %arg10[%add3A_10, %dma_start3A_43] : memref<10240x64xf32, #tpu.memory_space<vmem_shared>> -> memref<128x64xf32, #tpu.memory_space<vmem_shared>>
      %dma_start3A_45 = arith.constant 0 : i32
      %dma_start3A_46 = tpu.memref_slice %arg10[%add3A_10, %dma_start3A_45] : memref<10240x64xf32, #tpu.memory_space<vmem_shared>> -> memref<128x64xf32, #tpu.memory_space<vmem_shared>>
      tpu.enqueue_dma source(%arg8 : memref<128x64xf32, #tpu.memory_space<vmem>>) target(%dma_start3A_46 : memref<128x64xf32, #tpu.memory_space<vmem_shared>>) target_semaphore(%run_scoped3A : memref<!tpu.dma_semaphore, #tpu.memory_space<semaphore_mem>>)
      %dma_wait3A = arith.constant 0 : i32
      %dma_wait3A_47 = tpu.memref_slice %arg10[%add3A_10, %dma_wait3A] : memref<10240x64xf32, #tpu.memory_space<vmem_shared>> -> memref<128x64xf32, #tpu.memory_space<vmem_shared>>
      %dma_wait3A_48 = arith.constant 0 : i32
      %dma_wait3A_49 = tpu.memref_slice %arg10[%add3A_10, %dma_wait3A_48] : memref<10240x64xf32, #tpu.memory_space<vmem_shared>> -> memref<128x64xf32, #tpu.memory_space<vmem_shared>>
      tpu.wait_dma2 semaphore(%run_scoped3A : memref<!tpu.dma_semaphore, #tpu.memory_space<semaphore_mem>>) src(%arg8 : memref<128x64xf32, #tpu.memory_space<vmem>>) dst(%dma_wait3A_49 : memref<128x64xf32, #tpu.memory_space<vmem_shared>>)
      tpu.yield
    }) : () -> ()
    %add3A_11 = arith.constant 128 : i32
    %add3A_12 = arith.addi %mul3A_8, %add3A_11 : i32
    "tpu.region"() ({
      %run_scoped3A = tpu.sem_alloc : memref<!tpu.dma_semaphore, #tpu.memory_space<semaphore_mem>>
      %dma_start3A_43 = arith.constant 0 : i32
      %dma_start3A_44 = tpu.memref_slice %arg10[%add3A_12, %dma_start3A_43] : memref<10240x64xf32, #tpu.memory_space<vmem_shared>> -> memref<128x64xf32, #tpu.memory_space<vmem_shared>>
      %dma_start3A_45 = arith.constant 0 : i32
      %dma_start3A_46 = tpu.memref_slice %arg10[%add3A_12, %dma_start3A_45] : memref<10240x64xf32, #tpu.memory_space<vmem_shared>> -> memref<128x64xf32, #tpu.memory_space<vmem_shared>>
      tpu.enqueue_dma source(%arg8 : memref<128x64xf32, #tpu.memory_space<vmem>>) target(%dma_start3A_46 : memref<128x64xf32, #tpu.memory_space<vmem_shared>>) target_semaphore(%run_scoped3A : memref<!tpu.dma_semaphore, #tpu.memory_space<semaphore_mem>>)
      %dma_wait3A = arith.constant 0 : i32
      %dma_wait3A_47 = tpu.memref_slice %arg10[%add3A_12, %dma_wait3A] : memref<10240x64xf32, #tpu.memory_space<vmem_shared>> -> memref<128x64xf32, #tpu.memory_space<vmem_shared>>
      %dma_wait3A_48 = arith.constant 0 : i32
      %dma_wait3A_49 = tpu.memref_slice %arg10[%add3A_12, %dma_wait3A_48] : memref<10240x64xf32, #tpu.memory_space<vmem_shared>> -> memref<128x64xf32, #tpu.memory_space<vmem_shared>>
      tpu.wait_dma2 semaphore(%run_scoped3A : memref<!tpu.dma_semaphore, #tpu.memory_space<semaphore_mem>>) src(%arg8 : memref<128x64xf32, #tpu.memory_space<vmem>>) dst(%dma_wait3A_49 : memref<128x64xf32, #tpu.memory_space<vmem_shared>>)
      tpu.yield
    }) : () -> ()
    %add3A_13 = arith.constant 256 : i32
    %add3A_14 = arith.addi %mul3A_8, %add3A_13 : i32
    "tpu.region"() ({
      %run_scoped3A = tpu.sem_alloc : memref<!tpu.dma_semaphore, #tpu.memory_space<semaphore_mem>>
      %dma_start3A_43 = arith.constant 0 : i32
      %dma_start3A_44 = tpu.memref_slice %arg10[%add3A_14, %dma_start3A_43] : memref<10240x64xf32, #tpu.memory_space<vmem_shared>> -> memref<128x64xf32, #tpu.memory_space<vmem_shared>>
      %dma_start3A_45 = arith.constant 0 : i32
      %dma_start3A_46 = tpu.memref_slice %arg10[%add3A_14, %dma_start3A_45] : memref<10240x64xf32, #tpu.memory_space<vmem_shared>> -> memref<128x64xf32, #tpu.memory_space<vmem_shared>>
      tpu.enqueue_dma source(%arg8 : memref<128x64xf32, #tpu.memory_space<vmem>>) target(%dma_start3A_46 : memref<128x64xf32, #tpu.memory_space<vmem_shared>>) target_semaphore(%run_scoped3A : memref<!tpu.dma_semaphore, #tpu.memory_space<semaphore_mem>>)
      %dma_wait3A = arith.constant 0 : i32
      %dma_wait3A_47 = tpu.memref_slice %arg10[%add3A_14, %dma_wait3A] : memref<10240x64xf32, #tpu.memory_space<vmem_shared>> -> memref<128x64xf32, #tpu.memory_space<vmem_shared>>
      %dma_wait3A_48 = arith.constant 0 : i32
      %dma_wait3A_49 = tpu.memref_slice %arg10[%add3A_14, %dma_wait3A_48] : memref<10240x64xf32, #tpu.memory_space<vmem_shared>> -> memref<128x64xf32, #tpu.memory_space<vmem_shared>>
      tpu.wait_dma2 semaphore(%run_scoped3A : memref<!tpu.dma_semaphore, #tpu.memory_space<semaphore_mem>>) src(%arg8 : memref<128x64xf32, #tpu.memory_space<vmem>>) dst(%dma_wait3A_49 : memref<128x64xf32, #tpu.memory_space<vmem_shared>>)
      tpu.yield
    }) : () -> ()
    %add3A_15 = arith.constant 384 : i32
    %add3A_16 = arith.addi %mul3A_8, %add3A_15 : i32
    "tpu.region"() ({
      %run_scoped3A = tpu.sem_alloc : memref<!tpu.dma_semaphore, #tpu.memory_space<semaphore_mem>>
      %dma_start3A_43 = arith.constant 0 : i32
      %dma_start3A_44 = tpu.memref_slice %arg10[%add3A_16, %dma_start3A_43] : memref<10240x64xf32, #tpu.memory_space<vmem_shared>> -> memref<128x64xf32, #tpu.memory_space<vmem_shared>>
      %dma_start3A_45 = arith.constant 0 : i32
      %dma_start3A_46 = tpu.memref_slice %arg10[%add3A_16, %dma_start3A_45] : memref<10240x64xf32, #tpu.memory_space<vmem_shared>> -> memref<128x64xf32, #tpu.memory_space<vmem_shared>>
      tpu.enqueue_dma source(%arg8 : memref<128x64xf32, #tpu.memory_space<vmem>>) target(%dma_start3A_46 : memref<128x64xf32, #tpu.memory_space<vmem_shared>>) target_semaphore(%run_scoped3A : memref<!tpu.dma_semaphore, #tpu.memory_space<semaphore_mem>>)
      %dma_wait3A = arith.constant 0 : i32
      %dma_wait3A_47 = tpu.memref_slice %arg10[%add3A_16, %dma_wait3A] : memref<10240x64xf32, #tpu.memory_space<vmem_shared>> -> memref<128x64xf32, #tpu.memory_space<vmem_shared>>
      %dma_wait3A_48 = arith.constant 0 : i32
      %dma_wait3A_49 = tpu.memref_slice %arg10[%add3A_16, %dma_wait3A_48] : memref<10240x64xf32, #tpu.memory_space<vmem_shared>> -> memref<128x64xf32, #tpu.memory_space<vmem_shared>>
      tpu.wait_dma2 semaphore(%run_scoped3A : memref<!tpu.dma_semaphore, #tpu.memory_space<semaphore_mem>>) src(%arg8 : memref<128x64xf32, #tpu.memory_space<vmem>>) dst(%dma_wait3A_49 : memref<128x64xf32, #tpu.memory_space<vmem_shared>>)
      tpu.yield
    }) : () -> ()
    %add3A_17 = arith.constant 512 : i32
    %add3A_18 = arith.addi %mul3A_8, %add3A_17 : i32
    "tpu.region"() ({
      %run_scoped3A = tpu.sem_alloc : memref<!tpu.dma_semaphore, #tpu.memory_space<semaphore_mem>>
      %dma_start3A_43 = arith.constant 0 : i32
      %dma_start3A_44 = tpu.memref_slice %arg10[%add3A_18, %dma_start3A_43] : memref<10240x64xf32, #tpu.memory_space<vmem_shared>> -> memref<128x64xf32, #tpu.memory_space<vmem_shared>>
      %dma_start3A_45 = arith.constant 0 : i32
      %dma_start3A_46 = tpu.memref_slice %arg10[%add3A_18, %dma_start3A_45] : memref<10240x64xf32, #tpu.memory_space<vmem_shared>> -> memref<128x64xf32, #tpu.memory_space<vmem_shared>>
      tpu.enqueue_dma source(%arg8 : memref<128x64xf32, #tpu.memory_space<vmem>>) target(%dma_start3A_46 : memref<128x64xf32, #tpu.memory_space<vmem_shared>>) target_semaphore(%run_scoped3A : memref<!tpu.dma_semaphore, #tpu.memory_space<semaphore_mem>>)
      %dma_wait3A = arith.constant 0 : i32
      %dma_wait3A_47 = tpu.memref_slice %arg10[%add3A_18, %dma_wait3A] : memref<10240x64xf32, #tpu.memory_space<vmem_shared>> -> memref<128x64xf32, #tpu.memory_space<vmem_shared>>
      %dma_wait3A_48 = arith.constant 0 : i32
      %dma_wait3A_49 = tpu.memref_slice %arg10[%add3A_18, %dma_wait3A_48] : memref<10240x64xf32, #tpu.memory_space<vmem_shared>> -> memref<128x64xf32, #tpu.memory_space<vmem_shared>>
      tpu.wait_dma2 semaphore(%run_scoped3A : memref<!tpu.dma_semaphore, #tpu.memory_space<semaphore_mem>>) src(%arg8 : memref<128x64xf32, #tpu.memory_space<vmem>>) dst(%dma_wait3A_49 : memref<128x64xf32, #tpu.memory_space<vmem_shared>>)
      tpu.yield
    }) : () -> ()
    %mul3A_19 = arith.constant 625 : i32
    %mul3A_20 = arith.muli %arg1, %mul3A_19 : i32
    %mul3A_21 = arith.constant 625 : i32
    %mul3A_22 = arith.muli %arg1, %mul3A_21 : i32
    "tpu.region"() ({
      %run_scoped3A = tpu.sem_alloc : memref<!tpu.dma_semaphore, #tpu.memory_space<semaphore_mem>>
      %dma_start3A_43 = arith.constant 0 : i32
      %dma_start3A_44 = tpu.memref_slice %arg11[%mul3A_22, %dma_start3A_43] : memref<10240x64xf32, #tpu.memory_space<vmem_shared>> -> memref<625x64xf32, #tpu.memory_space<vmem_shared>>
      %dma_start3A_45 = arith.constant 0 : i32
      %dma_start3A_46 = tpu.memref_slice %arg4[%mul3A_20, %dma_start3A_45] : memref<10000x64xf32, #tpu.memory_space<hbm>> -> memref<625x64xf32, #tpu.memory_space<hbm>>
      tpu.enqueue_dma source(%dma_start3A_46 : memref<625x64xf32, #tpu.memory_space<hbm>>) target(%dma_start3A_44 : memref<625x64xf32, #tpu.memory_space<vmem_shared>>) target_semaphore(%run_scoped3A : memref<!tpu.dma_semaphore, #tpu.memory_space<semaphore_mem>>)
      %dma_wait3A = arith.constant 0 : i32
      %dma_wait3A_47 = tpu.memref_slice %arg11[%mul3A_22, %dma_wait3A] : memref<10240x64xf32, #tpu.memory_space<vmem_shared>> -> memref<625x64xf32, #tpu.memory_space<vmem_shared>>
      %dma_wait3A_48 = arith.constant 0 : i32
      %dma_wait3A_49 = tpu.memref_slice %arg4[%mul3A_20, %dma_wait3A_48] : memref<10000x64xf32, #tpu.memory_space<hbm>> -> memref<625x64xf32, #tpu.memory_space<hbm>>
      tpu.wait_dma2 semaphore(%run_scoped3A : memref<!tpu.dma_semaphore, #tpu.memory_space<semaphore_mem>>) src(%dma_wait3A_49 : memref<625x64xf32, #tpu.memory_space<hbm>>) dst(%dma_wait3A_47 : memref<625x64xf32, #tpu.memory_space<vmem_shared>>)
      tpu.yield
    }) : () -> ()
    "tpu.region"() ({
      %run_scoped3A = tpu.sem_alloc : memref<!tpu.dma_semaphore, #tpu.memory_space<semaphore_mem>>
      %dma_start3A_43 = arith.constant 0 : i32
      %dma_start3A_44 = arith.constant 0 : i32
      %dma_start3A_45 = tpu.memref_slice %arg2[%add3A, %dma_start3A_43, %dma_start3A_44] : memref<32x80x128xi32, #tpu.memory_space<hbm>> -> memref<1x80x128xi32, #tpu.memory_space<hbm>>
      %dma_start3A_46 = tpu.memref_squeeze %dma_start3A_45 : memref<1x80x128xi32, #tpu.memory_space<hbm>> -> memref<80x128xi32, #tpu.memory_space<hbm>>
      %dma_start3A_47 = arith.constant 0 : i32
      %dma_start3A_48 = arith.constant 0 : i32
      %dma_start3A_49 = tpu.memref_slice %arg2[%add3A, %dma_start3A_47, %dma_start3A_48] : memref<32x80x128xi32, #tpu.memory_space<hbm>> -> memref<1x80x128xi32, #tpu.memory_space<hbm>>
      %dma_start3A_50 = tpu.memref_squeeze %dma_start3A_49 : memref<1x80x128xi32, #tpu.memory_space<hbm>> -> memref<80x128xi32, #tpu.memory_space<hbm>>
      tpu.enqueue_dma source(%dma_start3A_50 : memref<80x128xi32, #tpu.memory_space<hbm>>) target(%arg6 : memref<80x128xi32, #tpu.memory_space<vmem>>) target_semaphore(%run_scoped3A : memref<!tpu.dma_semaphore, #tpu.memory_space<semaphore_mem>>)
      %dma_wait3A = arith.constant 0 : i32
      %dma_wait3A_51 = arith.constant 0 : i32
      %dma_wait3A_52 = tpu.memref_slice %arg2[%add3A, %dma_wait3A, %dma_wait3A_51] : memref<32x80x128xi32, #tpu.memory_space<hbm>> -> memref<1x80x128xi32, #tpu.memory_space<hbm>>
      %dma_wait3A_53 = tpu.memref_squeeze %dma_wait3A_52 : memref<1x80x128xi32, #tpu.memory_space<hbm>> -> memref<80x128xi32, #tpu.memory_space<hbm>>
      %dma_wait3A_54 = arith.constant 0 : i32
      %dma_wait3A_55 = arith.constant 0 : i32
      %dma_wait3A_56 = tpu.memref_slice %arg2[%add3A, %dma_wait3A_54, %dma_wait3A_55] : memref<32x80x128xi32, #tpu.memory_space<hbm>> -> memref<1x80x128xi32, #tpu.memory_space<hbm>>
      %dma_wait3A_57 = tpu.memref_squeeze %dma_wait3A_56 : memref<1x80x128xi32, #tpu.memory_space<hbm>> -> memref<80x128xi32, #tpu.memory_space<hbm>>
      tpu.wait_dma2 semaphore(%run_scoped3A : memref<!tpu.dma_semaphore, #tpu.memory_space<semaphore_mem>>) src(%dma_wait3A_57 : memref<80x128xi32, #tpu.memory_space<hbm>>) dst(%arg6 : memref<80x128xi32, #tpu.memory_space<vmem>>)
      tpu.yield
    }) : () -> ()
    "tpu.region"() ({
      %run_scoped3A = tpu.sem_alloc : memref<!tpu.dma_semaphore, #tpu.memory_space<semaphore_mem>>
      %dma_start3A_43 = arith.constant 0 : i32
      %dma_start3A_44 = arith.constant 0 : i32
      %dma_start3A_45 = tpu.memref_slice %arg3[%add3A, %dma_start3A_43, %dma_start3A_44] : memref<32x80x128xi32, #tpu.memory_space<hbm>> -> memref<1x80x128xi32, #tpu.memory_space<hbm>>
      %dma_start3A_46 = tpu.memref_squeeze %dma_start3A_45 : memref<1x80x128xi32, #tpu.memory_space<hbm>> -> memref<80x128xi32, #tpu.memory_space<hbm>>
      %dma_start3A_47 = arith.constant 0 : i32
      %dma_start3A_48 = arith.constant 0 : i32
      %dma_start3A_49 = tpu.memref_slice %arg3[%add3A, %dma_start3A_47, %dma_start3A_48] : memref<32x80x128xi32, #tpu.memory_space<hbm>> -> memref<1x80x128xi32, #tpu.memory_space<hbm>>
      %dma_start3A_50 = tpu.memref_squeeze %dma_start3A_49 : memref<1x80x128xi32, #tpu.memory_space<hbm>> -> memref<80x128xi32, #tpu.memory_space<hbm>>
      tpu.enqueue_dma source(%dma_start3A_50 : memref<80x128xi32, #tpu.memory_space<hbm>>) target(%arg7 : memref<80x128xi32, #tpu.memory_space<vmem>>) target_semaphore(%run_scoped3A : memref<!tpu.dma_semaphore, #tpu.memory_space<semaphore_mem>>)
      %dma_wait3A = arith.constant 0 : i32
      %dma_wait3A_51 = arith.constant 0 : i32
      %dma_wait3A_52 = tpu.memref_slice %arg3[%add3A, %dma_wait3A, %dma_wait3A_51] : memref<32x80x128xi32, #tpu.memory_space<hbm>> -> memref<1x80x128xi32, #tpu.memory_space<hbm>>
      %dma_wait3A_53 = tpu.memref_squeeze %dma_wait3A_52 : memref<1x80x128xi32, #tpu.memory_space<hbm>> -> memref<80x128xi32, #tpu.memory_space<hbm>>
      %dma_wait3A_54 = arith.constant 0 : i32
      %dma_wait3A_55 = arith.constant 0 : i32
      %dma_wait3A_56 = tpu.memref_slice %arg3[%add3A, %dma_wait3A_54, %dma_wait3A_55] : memref<32x80x128xi32, #tpu.memory_space<hbm>> -> memref<1x80x128xi32, #tpu.memory_space<hbm>>
      %dma_wait3A_57 = tpu.memref_squeeze %dma_wait3A_56 : memref<1x80x128xi32, #tpu.memory_space<hbm>> -> memref<80x128xi32, #tpu.memory_space<hbm>>
      tpu.wait_dma2 semaphore(%run_scoped3A : memref<!tpu.dma_semaphore, #tpu.memory_space<semaphore_mem>>) src(%dma_wait3A_57 : memref<80x128xi32, #tpu.memory_space<hbm>>) dst(%arg7 : memref<80x128xi32, #tpu.memory_space<vmem>>)
      tpu.yield
    }) : () -> ()
    %barrier3A = arith.constant 0 : index
    tpu.barrier barrier_id(%barrier3A)
    %dma_start3A = arith.constant 0 : i32
    %dma_start3A_23 = arith.constant 0 : i32
    %dma_start3A_24 = tpu.memref_slice %arg6[%dma_start3A, %dma_start3A_23] : memref<80x128xi32, #tpu.memory_space<vmem>> -> memref<1x128xi32, #tpu.memory_space<vmem>>
    %dma_start3A_25 = tpu.memref_squeeze %dma_start3A_24 : memref<1x128xi32, #tpu.memory_space<vmem>> -> memref<128xi32, #tpu.memory_space<vmem>>
    %dma_start3A_26 = arith.constant 0 : i32
    %dma_start3A_27 = arith.constant 0 : i32
    %dma_start3A_28 = tpu.memref_slice %arg11[%dma_start3A_26, %dma_start3A_27] : memref<10240x64xf32, #tpu.memory_space<vmem_shared>> -> memref<10240x64xf32, #tpu.memory_space<vmem_shared>>
    tpu.enqueue_indirect_dma source(%dma_start3A_28 : memref<10240x64xf32, #tpu.memory_space<vmem_shared>>) target(%arg8 : memref<128x64xf32, #tpu.memory_space<vmem>>) offsets(%dma_start3A_25 : memref<128xi32, #tpu.memory_space<vmem>>) semaphore(%arg12 : memref<!tpu.dma_semaphore, #tpu.memory_space<semaphore_mem>>)
    %dma_start3A_29 = arith.constant 1 : i32
    %dma_start3A_30 = arith.constant 0 : i32
    %dma_start3A_31 = tpu.memref_slice %arg6[%dma_start3A_29, %dma_start3A_30] : memref<80x128xi32, #tpu.memory_space<vmem>> -> memref<1x128xi32, #tpu.memory_space<vmem>>
    %dma_start3A_32 = tpu.memref_squeeze %dma_start3A_31 : memref<1x128xi32, #tpu.memory_space<vmem>> -> memref<128xi32, #tpu.memory_space<vmem>>
    %dma_start3A_33 = arith.constant 0 : i32
    %dma_start3A_34 = arith.constant 0 : i32
    %dma_start3A_35 = tpu.memref_slice %arg11[%dma_start3A_33, %dma_start3A_34] : memref<10240x64xf32, #tpu.memory_space<vmem_shared>> -> memref<10240x64xf32, #tpu.memory_space<vmem_shared>>
    tpu.enqueue_indirect_dma source(%dma_start3A_35 : memref<10240x64xf32, #tpu.memory_space<vmem_shared>>) target(%arg9 : memref<128x64xf32, #tpu.memory_space<vmem>>) offsets(%dma_start3A_32 : memref<128xi32, #tpu.memory_space<vmem>>) semaphore(%arg13 : memref<!tpu.dma_semaphore, #tpu.memory_space<semaphore_mem>>)
    %scan3A_36 = arith.constant 0 : i32
    %scan3A_37 = arith.constant 0 : i32
    %scan3A_38 = arith.constant 40 : i32
    %scan3A_39 = arith.addi %scan3A_37, %scan3A_38 : i32
    %scan3A_40 = arith.constant 1 : i32
    scf.for %scan3A_43 = %scan3A_37 to %scan3A_39 step %scan3A_40  : i32 {
      %mul3A_44 = arith.constant 2 : i32
      %mul3A_45 = arith.muli %mul3A_44, %scan3A_43 : i32
      %dma_wait3A = arith.constant 0 : i32
      %dma_wait3A_46 = tpu.memref_slice %arg6[%mul3A_45, %dma_wait3A] : memref<80x128xi32, #tpu.memory_space<vmem>> -> memref<1x128xi32, #tpu.memory_space<vmem>>
      %dma_wait3A_47 = tpu.memref_squeeze %dma_wait3A_46 : memref<1x128xi32, #tpu.memory_space<vmem>> -> memref<128xi32, #tpu.memory_space<vmem>>
      %dma_wait3A_48 = arith.constant 0 : i32
      %dma_wait3A_49 = arith.constant 0 : i32
      %dma_wait3A_50 = tpu.memref_slice %arg11[%dma_wait3A_48, %dma_wait3A_49] : memref<10240x64xf32, #tpu.memory_space<vmem_shared>> -> memref<10240x64xf32, #tpu.memory_space<vmem_shared>>
      tpu.wait_indirect_dma semaphore(%arg12 : memref<!tpu.dma_semaphore, #tpu.memory_space<semaphore_mem>>) src(%dma_wait3A_50 : memref<10240x64xf32, #tpu.memory_space<vmem_shared>>) dst(%arg8 : memref<128x64xf32, #tpu.memory_space<vmem>>)
      "tpu.region"() ({
        %run_scoped3A = tpu.sem_alloc : memref<!tpu.dma_semaphore, #tpu.memory_space<semaphore_mem>>
        %dma_start3A_72 = arith.constant 0 : i32
        %dma_start3A_73 = tpu.memref_slice %arg7[%mul3A_45, %dma_start3A_72] : memref<80x128xi32, #tpu.memory_space<vmem>> -> memref<1x128xi32, #tpu.memory_space<vmem>>
        %dma_start3A_74 = tpu.memref_squeeze %dma_start3A_73 : memref<1x128xi32, #tpu.memory_space<vmem>> -> memref<128xi32, #tpu.memory_space<vmem>>
        %dma_start3A_75 = arith.constant 0 : i32
        %dma_start3A_76 = arith.constant 0 : i32
        %dma_start3A_77 = tpu.memref_slice %arg10[%dma_start3A_75, %dma_start3A_76] : memref<10240x64xf32, #tpu.memory_space<vmem_shared>> -> memref<10240x64xf32, #tpu.memory_space<vmem_shared>>
        tpu.enqueue_indirect_dma source(%arg8 : memref<128x64xf32, #tpu.memory_space<vmem>>) target(%dma_start3A_77 : memref<10240x64xf32, #tpu.memory_space<vmem_shared>>) offsets(%dma_start3A_74 : memref<128xi32, #tpu.memory_space<vmem>>) semaphore(%run_scoped3A : memref<!tpu.dma_semaphore, #tpu.memory_space<semaphore_mem>>) {add = true}
        %dma_wait3A_78 = arith.constant 0 : i32
        %dma_wait3A_79 = tpu.memref_slice %arg7[%mul3A_45, %dma_wait3A_78] : memref<80x128xi32, #tpu.memory_space<vmem>> -> memref<1x128xi32, #tpu.memory_space<vmem>>
        %dma_wait3A_80 = tpu.memref_squeeze %dma_wait3A_79 : memref<1x128xi32, #tpu.memory_space<vmem>> -> memref<128xi32, #tpu.memory_space<vmem>>
        %dma_wait3A_81 = arith.constant 0 : i32
        %dma_wait3A_82 = arith.constant 0 : i32
        %dma_wait3A_83 = tpu.memref_slice %arg10[%dma_wait3A_81, %dma_wait3A_82] : memref<10240x64xf32, #tpu.memory_space<vmem_shared>> -> memref<10240x64xf32, #tpu.memory_space<vmem_shared>>
        tpu.wait_indirect_dma semaphore(%run_scoped3A : memref<!tpu.dma_semaphore, #tpu.memory_space<semaphore_mem>>) src(%arg8 : memref<128x64xf32, #tpu.memory_space<vmem>>) dst(%dma_wait3A_83 : memref<10240x64xf32, #tpu.memory_space<vmem_shared>>)
        tpu.yield
      }) : () -> ()
      %add3A_51 = arith.constant 2 : i32
      %add3A_52 = arith.addi %mul3A_45, %add3A_51 : i32
      %lt3A = arith.constant 80 : i32
      %lt3A_53 = arith.cmpi slt, %add3A_52, %lt3A : i32
      %convert_element_type3A = arith.extui %lt3A_53 : i1 to i32
      %cond3A = arith.constant 0 : i32
      %cond3A_54 = arith.cmpi ne, %convert_element_type3A, %cond3A : i32
      scf.if %cond3A_54 {
        %add3A_72 = arith.constant 2 : i32
        %add3A_73 = arith.addi %mul3A_45, %add3A_72 : i32
        %dma_start3A_74 = arith.constant 0 : i32
        %dma_start3A_75 = tpu.memref_slice %arg6[%add3A_73, %dma_start3A_74] : memref<80x128xi32, #tpu.memory_space<vmem>> -> memref<1x128xi32, #tpu.memory_space<vmem>>
        %dma_start3A_76 = tpu.memref_squeeze %dma_start3A_75 : memref<1x128xi32, #tpu.memory_space<vmem>> -> memref<128xi32, #tpu.memory_space<vmem>>
        %dma_start3A_77 = arith.constant 0 : i32
        %dma_start3A_78 = arith.constant 0 : i32
        %dma_start3A_79 = tpu.memref_slice %arg11[%dma_start3A_77, %dma_start3A_78] : memref<10240x64xf32, #tpu.memory_space<vmem_shared>> -> memref<10240x64xf32, #tpu.memory_space<vmem_shared>>
        tpu.enqueue_indirect_dma source(%dma_start3A_79 : memref<10240x64xf32, #tpu.memory_space<vmem_shared>>) target(%arg8 : memref<128x64xf32, #tpu.memory_space<vmem>>) offsets(%dma_start3A_76 : memref<128xi32, #tpu.memory_space<vmem>>) semaphore(%arg12 : memref<!tpu.dma_semaphore, #tpu.memory_space<semaphore_mem>>)
      } else {
      }
      %add3A_55 = arith.constant 1 : i32
      %add3A_56 = arith.addi %mul3A_45, %add3A_55 : i32
      %dma_wait3A_57 = arith.constant 0 : i32
      %dma_wait3A_58 = tpu.memref_slice %arg6[%add3A_56, %dma_wait3A_57] : memref<80x128xi32, #tpu.memory_space<vmem>> -> memref<1x128xi32, #tpu.memory_space<vmem>>
      %dma_wait3A_59 = tpu.memref_squeeze %dma_wait3A_58 : memref<1x128xi32, #tpu.memory_space<vmem>> -> memref<128xi32, #tpu.memory_space<vmem>>
      %dma_wait3A_60 = arith.constant 0 : i32
      %dma_wait3A_61 = arith.constant 0 : i32
      %dma_wait3A_62 = tpu.memref_slice %arg11[%dma_wait3A_60, %dma_wait3A_61] : memref<10240x64xf32, #tpu.memory_space<vmem_shared>> -> memref<10240x64xf32, #tpu.memory_space<vmem_shared>>
      tpu.wait_indirect_dma semaphore(%arg13 : memref<!tpu.dma_semaphore, #tpu.memory_space<semaphore_mem>>) src(%dma_wait3A_62 : memref<10240x64xf32, #tpu.memory_space<vmem_shared>>) dst(%arg9 : memref<128x64xf32, #tpu.memory_space<vmem>>)
      %add3A_63 = arith.constant 1 : i32
      %add3A_64 = arith.addi %mul3A_45, %add3A_63 : i32
      "tpu.region"() ({
        %run_scoped3A = tpu.sem_alloc : memref<!tpu.dma_semaphore, #tpu.memory_space<semaphore_mem>>
        %dma_start3A_72 = arith.constant 0 : i32
        %dma_start3A_73 = tpu.memref_slice %arg7[%add3A_64, %dma_start3A_72] : memref<80x128xi32, #tpu.memory_space<vmem>> -> memref<1x128xi32, #tpu.memory_space<vmem>>
        %dma_start3A_74 = tpu.memref_squeeze %dma_start3A_73 : memref<1x128xi32, #tpu.memory_space<vmem>> -> memref<128xi32, #tpu.memory_space<vmem>>
        %dma_start3A_75 = arith.constant 0 : i32
        %dma_start3A_76 = arith.constant 0 : i32
        %dma_start3A_77 = tpu.memref_slice %arg10[%dma_start3A_75, %dma_start3A_76] : memref<10240x64xf32, #tpu.memory_space<vmem_shared>> -> memref<10240x64xf32, #tpu.memory_space<vmem_shared>>
        tpu.enqueue_indirect_dma source(%arg9 : memref<128x64xf32, #tpu.memory_space<vmem>>) target(%dma_start3A_77 : memref<10240x64xf32, #tpu.memory_space<vmem_shared>>) offsets(%dma_start3A_74 : memref<128xi32, #tpu.memory_space<vmem>>) semaphore(%run_scoped3A : memref<!tpu.dma_semaphore, #tpu.memory_space<semaphore_mem>>) {add = true}
        %dma_wait3A_78 = arith.constant 0 : i32
        %dma_wait3A_79 = tpu.memref_slice %arg7[%add3A_64, %dma_wait3A_78] : memref<80x128xi32, #tpu.memory_space<vmem>> -> memref<1x128xi32, #tpu.memory_space<vmem>>
        %dma_wait3A_80 = tpu.memref_squeeze %dma_wait3A_79 : memref<1x128xi32, #tpu.memory_space<vmem>> -> memref<128xi32, #tpu.memory_space<vmem>>
        %dma_wait3A_81 = arith.constant 0 : i32
        %dma_wait3A_82 = arith.constant 0 : i32
        %dma_wait3A_83 = tpu.memref_slice %arg10[%dma_wait3A_81, %dma_wait3A_82] : memref<10240x64xf32, #tpu.memory_space<vmem_shared>> -> memref<10240x64xf32, #tpu.memory_space<vmem_shared>>
        tpu.wait_indirect_dma semaphore(%run_scoped3A : memref<!tpu.dma_semaphore, #tpu.memory_space<semaphore_mem>>) src(%arg9 : memref<128x64xf32, #tpu.memory_space<vmem>>) dst(%dma_wait3A_83 : memref<10240x64xf32, #tpu.memory_space<vmem_shared>>)
        tpu.yield
      }) : () -> ()
      %add3A_65 = arith.constant 3 : i32
      %add3A_66 = arith.addi %mul3A_45, %add3A_65 : i32
      %lt3A_67 = arith.constant 80 : i32
      %lt3A_68 = arith.cmpi slt, %add3A_66, %lt3A_67 : i32
      %convert_element_type3A_69 = arith.extui %lt3A_68 : i1 to i32
      %cond3A_70 = arith.constant 0 : i32
      %cond3A_71 = arith.cmpi ne, %convert_element_type3A_69, %cond3A_70 : i32
      scf.if %cond3A_71 {
        %add3A_72 = arith.constant 3 : i32
        %add3A_73 = arith.addi %mul3A_45, %add3A_72 : i32
        %dma_start3A_74 = arith.constant 0 : i32
        %dma_start3A_75 = tpu.memref_slice %arg6[%add3A_73, %dma_start3A_74] : memref<80x128xi32, #tpu.memory_space<vmem>> -> memref<1x128xi32, #tpu.memory_space<vmem>>
        %dma_start3A_76 = tpu.memref_squeeze %dma_start3A_75 : memref<1x128xi32, #tpu.memory_space<vmem>> -> memref<128xi32, #tpu.memory_space<vmem>>
        %dma_start3A_77 = arith.constant 0 : i32
        %dma_start3A_78 = arith.constant 0 : i32
        %dma_start3A_79 = tpu.memref_slice %arg11[%dma_start3A_77, %dma_start3A_78] : memref<10240x64xf32, #tpu.memory_space<vmem_shared>> -> memref<10240x64xf32, #tpu.memory_space<vmem_shared>>
        tpu.enqueue_indirect_dma source(%dma_start3A_79 : memref<10240x64xf32, #tpu.memory_space<vmem_shared>>) target(%arg9 : memref<128x64xf32, #tpu.memory_space<vmem>>) offsets(%dma_start3A_76 : memref<128xi32, #tpu.memory_space<vmem>>) semaphore(%arg13 : memref<!tpu.dma_semaphore, #tpu.memory_space<semaphore_mem>>)
      } else {
      }
    }
    %scan3A_41 = arith.constant 40 : i32
    %barrier3A_42 = arith.constant 0 : index
    tpu.barrier barrier_id(%barrier3A_42)
    "tpu.region"() ({
      %run_scoped3A = tpu.sem_alloc : memref<!tpu.dma_semaphore, #tpu.memory_space<semaphore_mem>>
      %dma_start3A_43 = arith.constant 0 : i32
      %dma_start3A_44 = tpu.memref_slice %arg5[%arg0, %mul3A_8, %dma_start3A_43] : memref<2x10240x64xf32, #tpu.memory_space<hbm>> -> memref<1x640x64xf32, #tpu.memory_space<hbm>>
      %dma_start3A_45 = tpu.memref_squeeze %dma_start3A_44 : memref<1x640x64xf32, #tpu.memory_space<hbm>> -> memref<640x64xf32, #tpu.memory_space<hbm>>
      %dma_start3A_46 = arith.constant 0 : i32
      %dma_start3A_47 = tpu.memref_slice %arg10[%mul3A_8, %dma_start3A_46] : memref<10240x64xf32, #tpu.memory_space<vmem_shared>> -> memref<640x64xf32, #tpu.memory_space<vmem_shared>>
      tpu.enqueue_dma source(%dma_start3A_47 : memref<640x64xf32, #tpu.memory_space<vmem_shared>>) target(%dma_start3A_45 : memref<640x64xf32, #tpu.memory_space<hbm>>) target_semaphore(%run_scoped3A : memref<!tpu.dma_semaphore, #tpu.memory_space<semaphore_mem>>)
      %dma_wait3A = arith.constant 0 : i32
      %dma_wait3A_48 = tpu.memref_slice %arg5[%arg0, %mul3A_8, %dma_wait3A] : memref<2x10240x64xf32, #tpu.memory_space<hbm>> -> memref<1x640x64xf32, #tpu.memory_space<hbm>>
      %dma_wait3A_49 = tpu.memref_squeeze %dma_wait3A_48 : memref<1x640x64xf32, #tpu.memory_space<hbm>> -> memref<640x64xf32, #tpu.memory_space<hbm>>
      %dma_wait3A_50 = arith.constant 0 : i32
      %dma_wait3A_51 = tpu.memref_slice %arg10[%mul3A_8, %dma_wait3A_50] : memref<10240x64xf32, #tpu.memory_space<vmem_shared>> -> memref<640x64xf32, #tpu.memory_space<vmem_shared>>
      tpu.wait_dma2 semaphore(%run_scoped3A : memref<!tpu.dma_semaphore, #tpu.memory_space<semaphore_mem>>) src(%dma_wait3A_51 : memref<640x64xf32, #tpu.memory_space<vmem_shared>>) dst(%dma_wait3A_49 : memref<640x64xf32, #tpu.memory_space<hbm>>)
      tpu.yield
    }) : () -> ()
    return
  }
}

#map = affine_map<(d0, d1) -> (0, 0, 0)>
#map1 = affine_map<(d0, d1) -> (0, 0)>
module attributes {stable_mosaic.version = 14 : i64} {
  func.func @hop_kernel(%arg0: i32, %arg1: i32, %arg2: memref<32x80x128xi32, #tpu.memory_space<hbm>>, %arg3: memref<32x80x128xi32, #tpu.memory_space<hbm>>, %arg4: memref<10000x64xf32, #tpu.memory_space<hbm>>, %arg5: memref<2x10240x64xf32, #tpu.memory_space<hbm>>, %arg6: memref<80x128xi32, #tpu.memory_space<vmem>>, %arg7: memref<80x128xi32, #tpu.memory_space<vmem>>, %arg8: memref<128x64xf32, #tpu.memory_space<vmem>>, %arg9: memref<128x64xf32, #tpu.memory_space<vmem>>, %arg10: memref<10240x64xf32, #tpu.memory_space<vmem_shared>>, %arg11: memref<10240x64xf32, #tpu.memory_space<vmem_shared>>, %arg12: memref<!tpu.dma_semaphore, #tpu.memory_space<semaphore_mem>>, %arg13: memref<!tpu.dma_semaphore, #tpu.memory_space<semaphore_mem>>) attributes {dimension_semantics = [#tpu.dimension_semantics<core_parallel>, #tpu.dimension_semantics<subcore_parallel>], iteration_bounds = array<i64: 2, 16>, scalar_prefetch = 0 : i64, scratch_operands = 8 : i64, tpu.core_type = #tpu.core_type<sc_vector_subcore>, window_params = [{transform_indices = #map}, {transform_indices = #map}, {transform_indices = #map1}, {transform_indices = #map}]} {
    %mul3A = arith.constant 2 : i32
    %mul3A_0 = arith.muli %arg1, %mul3A : i32
    %add3A = arith.addi %mul3A_0, %arg0 : i32
    %broadcast_in_dim3A = arith.constant 0.000000e+00 : f32
    %broadcast_in_dim3A_1 = vector.broadcast %broadcast_in_dim3A : f32 to vector<16xf32>
    %scan3A = arith.constant 0 : i32
    %scan3A_2 = arith.constant 0 : i32
    %scan3A_3 = arith.constant 128 : i32
    %scan3A_4 = arith.addi %scan3A_2, %scan3A_3 : i32
    %scan3A_5 = arith.constant 1 : i32
    scf.for %scan3A_43 = %scan3A_2 to %scan3A_4 step %scan3A_5  : i32 {
      %swap3A = arith.index_cast %scan3A_43 : i32 to index
      %swap3A_44 = arith.constant 0 : index
      %swap3A_45 = tpu.vector_load %arg8[%swap3A, %swap3A_44] {strides = array<i32>} : memref<128x64xf32, #tpu.memory_space<vmem>>, vector<1x16xf32>,
      %swap3A_46 = vector.shape_cast %swap3A_45 : vector<1x16xf32> to vector<16xf32>
      %swap3A_47 = vector.shape_cast %broadcast_in_dim3A_1 : vector<16xf32> to vector<1x16xf32>
      tpu.vector_store %arg8[%swap3A, %swap3A_44], %swap3A_47 {strides = array<i32>} : memref<128x64xf32, #tpu.memory_space<vmem>>, vector<1x16xf32>,
      %swap3A_48 = arith.index_cast %scan3A_43 : i32 to index
      %swap3A_49 = arith.constant 16 : index
      %swap3A_50 = tpu.vector_load %arg8[%swap3A_48, %swap3A_49] {strides = array<i32>} : memref<128x64xf32, #tpu.memory_space<vmem>>, vector<1x16xf32>,
      %swap3A_51 = vector.shape_cast %swap3A_50 : vector<1x16xf32> to vector<16xf32>
      %swap3A_52 = vector.shape_cast %broadcast_in_dim3A_1 : vector<16xf32> to vector<1x16xf32>
      tpu.vector_store %arg8[%swap3A_48, %swap3A_49], %swap3A_52 {strides = array<i32>} : memref<128x64xf32, #tpu.memory_space<vmem>>, vector<1x16xf32>,
      %swap3A_53 = arith.index_cast %scan3A_43 : i32 to index
      %swap3A_54 = arith.constant 32 : index
      %swap3A_55 = tpu.vector_load %arg8[%swap3A_53, %swap3A_54] {strides = array<i32>} : memref<128x64xf32, #tpu.memory_space<vmem>>, vector<1x16xf32>,
      %swap3A_56 = vector.shape_cast %swap3A_55 : vector<1x16xf32> to vector<16xf32>
      %swap3A_57 = vector.shape_cast %broadcast_in_dim3A_1 : vector<16xf32> to vector<1x16xf32>
      tpu.vector_store %arg8[%swap3A_53, %swap3A_54], %swap3A_57 {strides = array<i32>} : memref<128x64xf32, #tpu.memory_space<vmem>>, vector<1x16xf32>,
      %swap3A_58 = arith.index_cast %scan3A_43 : i32 to index
      %swap3A_59 = arith.constant 48 : index
      %swap3A_60 = tpu.vector_load %arg8[%swap3A_58, %swap3A_59] {strides = array<i32>} : memref<128x64xf32, #tpu.memory_space<vmem>>, vector<1x16xf32>,
      %swap3A_61 = vector.shape_cast %swap3A_60 : vector<1x16xf32> to vector<16xf32>
      %swap3A_62 = vector.shape_cast %broadcast_in_dim3A_1 : vector<16xf32> to vector<1x16xf32>
      tpu.vector_store %arg8[%swap3A_58, %swap3A_59], %swap3A_62 {strides = array<i32>} : memref<128x64xf32, #tpu.memory_space<vmem>>, vector<1x16xf32>,
    }
    %scan3A_6 = arith.constant 128 : i32
    %mul3A_7 = arith.constant 640 : i32
    %mul3A_8 = arith.muli %arg1, %mul3A_7 : i32
    %add3A_9 = arith.constant 0 : i32
    %add3A_10 = arith.addi %mul3A_8, %add3A_9 : i32
    "tpu.region"() ({
      %run_scoped3A = tpu.sem_alloc : memref<!tpu.dma_semaphore, #tpu.memory_space<semaphore_mem>>
      %dma_start3A_43 = arith.constant 0 : i32
      %dma_start3A_44 = tpu.memref_slice %arg10[%add3A_10, %dma_start3A_43] : memref<10240x64xf32, #tpu.memory_space<vmem_shared>> -> memref<128x64xf32, #tpu.memory_space<vmem_shared>>
      %dma_start3A_45 = arith.constant 0 : i32
      %dma_start3A_46 = tpu.memref_slice %arg10[%add3A_10, %dma_start3A_45] : memref<10240x64xf32, #tpu.memory_space<vmem_shared>> -> memref<128x64xf32, #tpu.memory_space<vmem_shared>>
      tpu.enqueue_dma source(%arg8 : memref<128x64xf32, #tpu.memory_space<vmem>>) target(%dma_start3A_46 : memref<128x64xf32, #tpu.memory_space<vmem_shared>>) target_semaphore(%run_scoped3A : memref<!tpu.dma_semaphore, #tpu.memory_space<semaphore_mem>>)
      %dma_wait3A = arith.constant 0 : i32
      %dma_wait3A_47 = tpu.memref_slice %arg10[%add3A_10, %dma_wait3A] : memref<10240x64xf32, #tpu.memory_space<vmem_shared>> -> memref<128x64xf32, #tpu.memory_space<vmem_shared>>
      %dma_wait3A_48 = arith.constant 0 : i32
      %dma_wait3A_49 = tpu.memref_slice %arg10[%add3A_10, %dma_wait3A_48] : memref<10240x64xf32, #tpu.memory_space<vmem_shared>> -> memref<128x64xf32, #tpu.memory_space<vmem_shared>>
      tpu.wait_dma2 semaphore(%run_scoped3A : memref<!tpu.dma_semaphore, #tpu.memory_space<semaphore_mem>>) src(%arg8 : memref<128x64xf32, #tpu.memory_space<vmem>>) dst(%dma_wait3A_49 : memref<128x64xf32, #tpu.memory_space<vmem_shared>>)
      tpu.yield
    }) : () -> ()
    %add3A_11 = arith.constant 128 : i32
    %add3A_12 = arith.addi %mul3A_8, %add3A_11 : i32
    "tpu.region"() ({
      %run_scoped3A = tpu.sem_alloc : memref<!tpu.dma_semaphore, #tpu.memory_space<semaphore_mem>>
      %dma_start3A_43 = arith.constant 0 : i32
      %dma_start3A_44 = tpu.memref_slice %arg10[%add3A_12, %dma_start3A_43] : memref<10240x64xf32, #tpu.memory_space<vmem_shared>> -> memref<128x64xf32, #tpu.memory_space<vmem_shared>>
      %dma_start3A_45 = arith.constant 0 : i32
      %dma_start3A_46 = tpu.memref_slice %arg10[%add3A_12, %dma_start3A_45] : memref<10240x64xf32, #tpu.memory_space<vmem_shared>> -> memref<128x64xf32, #tpu.memory_space<vmem_shared>>
      tpu.enqueue_dma source(%arg8 : memref<128x64xf32, #tpu.memory_space<vmem>>) target(%dma_start3A_46 : memref<128x64xf32, #tpu.memory_space<vmem_shared>>) target_semaphore(%run_scoped3A : memref<!tpu.dma_semaphore, #tpu.memory_space<semaphore_mem>>)
      %dma_wait3A = arith.constant 0 : i32
      %dma_wait3A_47 = tpu.memref_slice %arg10[%add3A_12, %dma_wait3A] : memref<10240x64xf32, #tpu.memory_space<vmem_shared>> -> memref<128x64xf32, #tpu.memory_space<vmem_shared>>
      %dma_wait3A_48 = arith.constant 0 : i32
      %dma_wait3A_49 = tpu.memref_slice %arg10[%add3A_12, %dma_wait3A_48] : memref<10240x64xf32, #tpu.memory_space<vmem_shared>> -> memref<128x64xf32, #tpu.memory_space<vmem_shared>>
      tpu.wait_dma2 semaphore(%run_scoped3A : memref<!tpu.dma_semaphore, #tpu.memory_space<semaphore_mem>>) src(%arg8 : memref<128x64xf32, #tpu.memory_space<vmem>>) dst(%dma_wait3A_49 : memref<128x64xf32, #tpu.memory_space<vmem_shared>>)
      tpu.yield
    }) : () -> ()
    %add3A_13 = arith.constant 256 : i32
    %add3A_14 = arith.addi %mul3A_8, %add3A_13 : i32
    "tpu.region"() ({
      %run_scoped3A = tpu.sem_alloc : memref<!tpu.dma_semaphore, #tpu.memory_space<semaphore_mem>>
      %dma_start3A_43 = arith.constant 0 : i32
      %dma_start3A_44 = tpu.memref_slice %arg10[%add3A_14, %dma_start3A_43] : memref<10240x64xf32, #tpu.memory_space<vmem_shared>> -> memref<128x64xf32, #tpu.memory_space<vmem_shared>>
      %dma_start3A_45 = arith.constant 0 : i32
      %dma_start3A_46 = tpu.memref_slice %arg10[%add3A_14, %dma_start3A_45] : memref<10240x64xf32, #tpu.memory_space<vmem_shared>> -> memref<128x64xf32, #tpu.memory_space<vmem_shared>>
      tpu.enqueue_dma source(%arg8 : memref<128x64xf32, #tpu.memory_space<vmem>>) target(%dma_start3A_46 : memref<128x64xf32, #tpu.memory_space<vmem_shared>>) target_semaphore(%run_scoped3A : memref<!tpu.dma_semaphore, #tpu.memory_space<semaphore_mem>>)
      %dma_wait3A = arith.constant 0 : i32
      %dma_wait3A_47 = tpu.memref_slice %arg10[%add3A_14, %dma_wait3A] : memref<10240x64xf32, #tpu.memory_space<vmem_shared>> -> memref<128x64xf32, #tpu.memory_space<vmem_shared>>
      %dma_wait3A_48 = arith.constant 0 : i32
      %dma_wait3A_49 = tpu.memref_slice %arg10[%add3A_14, %dma_wait3A_48] : memref<10240x64xf32, #tpu.memory_space<vmem_shared>> -> memref<128x64xf32, #tpu.memory_space<vmem_shared>>
      tpu.wait_dma2 semaphore(%run_scoped3A : memref<!tpu.dma_semaphore, #tpu.memory_space<semaphore_mem>>) src(%arg8 : memref<128x64xf32, #tpu.memory_space<vmem>>) dst(%dma_wait3A_49 : memref<128x64xf32, #tpu.memory_space<vmem_shared>>)
      tpu.yield
    }) : () -> ()
    %add3A_15 = arith.constant 384 : i32
    %add3A_16 = arith.addi %mul3A_8, %add3A_15 : i32
    "tpu.region"() ({
      %run_scoped3A = tpu.sem_alloc : memref<!tpu.dma_semaphore, #tpu.memory_space<semaphore_mem>>
      %dma_start3A_43 = arith.constant 0 : i32
      %dma_start3A_44 = tpu.memref_slice %arg10[%add3A_16, %dma_start3A_43] : memref<10240x64xf32, #tpu.memory_space<vmem_shared>> -> memref<128x64xf32, #tpu.memory_space<vmem_shared>>
      %dma_start3A_45 = arith.constant 0 : i32
      %dma_start3A_46 = tpu.memref_slice %arg10[%add3A_16, %dma_start3A_45] : memref<10240x64xf32, #tpu.memory_space<vmem_shared>> -> memref<128x64xf32, #tpu.memory_space<vmem_shared>>
      tpu.enqueue_dma source(%arg8 : memref<128x64xf32, #tpu.memory_space<vmem>>) target(%dma_start3A_46 : memref<128x64xf32, #tpu.memory_space<vmem_shared>>) target_semaphore(%run_scoped3A : memref<!tpu.dma_semaphore, #tpu.memory_space<semaphore_mem>>)
      %dma_wait3A = arith.constant 0 : i32
      %dma_wait3A_47 = tpu.memref_slice %arg10[%add3A_16, %dma_wait3A] : memref<10240x64xf32, #tpu.memory_space<vmem_shared>> -> memref<128x64xf32, #tpu.memory_space<vmem_shared>>
      %dma_wait3A_48 = arith.constant 0 : i32
      %dma_wait3A_49 = tpu.memref_slice %arg10[%add3A_16, %dma_wait3A_48] : memref<10240x64xf32, #tpu.memory_space<vmem_shared>> -> memref<128x64xf32, #tpu.memory_space<vmem_shared>>
      tpu.wait_dma2 semaphore(%run_scoped3A : memref<!tpu.dma_semaphore, #tpu.memory_space<semaphore_mem>>) src(%arg8 : memref<128x64xf32, #tpu.memory_space<vmem>>) dst(%dma_wait3A_49 : memref<128x64xf32, #tpu.memory_space<vmem_shared>>)
      tpu.yield
    }) : () -> ()
    %add3A_17 = arith.constant 512 : i32
    %add3A_18 = arith.addi %mul3A_8, %add3A_17 : i32
    "tpu.region"() ({
      %run_scoped3A = tpu.sem_alloc : memref<!tpu.dma_semaphore, #tpu.memory_space<semaphore_mem>>
      %dma_start3A_43 = arith.constant 0 : i32
      %dma_start3A_44 = tpu.memref_slice %arg10[%add3A_18, %dma_start3A_43] : memref<10240x64xf32, #tpu.memory_space<vmem_shared>> -> memref<128x64xf32, #tpu.memory_space<vmem_shared>>
      %dma_start3A_45 = arith.constant 0 : i32
      %dma_start3A_46 = tpu.memref_slice %arg10[%add3A_18, %dma_start3A_45] : memref<10240x64xf32, #tpu.memory_space<vmem_shared>> -> memref<128x64xf32, #tpu.memory_space<vmem_shared>>
      tpu.enqueue_dma source(%arg8 : memref<128x64xf32, #tpu.memory_space<vmem>>) target(%dma_start3A_46 : memref<128x64xf32, #tpu.memory_space<vmem_shared>>) target_semaphore(%run_scoped3A : memref<!tpu.dma_semaphore, #tpu.memory_space<semaphore_mem>>)
      %dma_wait3A = arith.constant 0 : i32
      %dma_wait3A_47 = tpu.memref_slice %arg10[%add3A_18, %dma_wait3A] : memref<10240x64xf32, #tpu.memory_space<vmem_shared>> -> memref<128x64xf32, #tpu.memory_space<vmem_shared>>
      %dma_wait3A_48 = arith.constant 0 : i32
      %dma_wait3A_49 = tpu.memref_slice %arg10[%add3A_18, %dma_wait3A_48] : memref<10240x64xf32, #tpu.memory_space<vmem_shared>> -> memref<128x64xf32, #tpu.memory_space<vmem_shared>>
      tpu.wait_dma2 semaphore(%run_scoped3A : memref<!tpu.dma_semaphore, #tpu.memory_space<semaphore_mem>>) src(%arg8 : memref<128x64xf32, #tpu.memory_space<vmem>>) dst(%dma_wait3A_49 : memref<128x64xf32, #tpu.memory_space<vmem_shared>>)
      tpu.yield
    }) : () -> ()
    %mul3A_19 = arith.constant 625 : i32
    %mul3A_20 = arith.muli %arg1, %mul3A_19 : i32
    %mul3A_21 = arith.constant 625 : i32
    %mul3A_22 = arith.muli %arg1, %mul3A_21 : i32
    "tpu.region"() ({
      %run_scoped3A = tpu.sem_alloc : memref<!tpu.dma_semaphore, #tpu.memory_space<semaphore_mem>>
      %dma_start3A_43 = arith.constant 0 : i32
      %dma_start3A_44 = tpu.memref_slice %arg11[%mul3A_22, %dma_start3A_43] : memref<10240x64xf32, #tpu.memory_space<vmem_shared>> -> memref<625x64xf32, #tpu.memory_space<vmem_shared>>
      %dma_start3A_45 = arith.constant 0 : i32
      %dma_start3A_46 = tpu.memref_slice %arg4[%mul3A_20, %dma_start3A_45] : memref<10000x64xf32, #tpu.memory_space<hbm>> -> memref<625x64xf32, #tpu.memory_space<hbm>>
      tpu.enqueue_dma source(%dma_start3A_46 : memref<625x64xf32, #tpu.memory_space<hbm>>) target(%dma_start3A_44 : memref<625x64xf32, #tpu.memory_space<vmem_shared>>) target_semaphore(%run_scoped3A : memref<!tpu.dma_semaphore, #tpu.memory_space<semaphore_mem>>)
      %dma_wait3A = arith.constant 0 : i32
      %dma_wait3A_47 = tpu.memref_slice %arg11[%mul3A_22, %dma_wait3A] : memref<10240x64xf32, #tpu.memory_space<vmem_shared>> -> memref<625x64xf32, #tpu.memory_space<vmem_shared>>
      %dma_wait3A_48 = arith.constant 0 : i32
      %dma_wait3A_49 = tpu.memref_slice %arg4[%mul3A_20, %dma_wait3A_48] : memref<10000x64xf32, #tpu.memory_space<hbm>> -> memref<625x64xf32, #tpu.memory_space<hbm>>
      tpu.wait_dma2 semaphore(%run_scoped3A : memref<!tpu.dma_semaphore, #tpu.memory_space<semaphore_mem>>) src(%dma_wait3A_49 : memref<625x64xf32, #tpu.memory_space<hbm>>) dst(%dma_wait3A_47 : memref<625x64xf32, #tpu.memory_space<vmem_shared>>)
      tpu.yield
    }) : () -> ()
    "tpu.region"() ({
      %run_scoped3A = tpu.sem_alloc : memref<!tpu.dma_semaphore, #tpu.memory_space<semaphore_mem>>
      %dma_start3A_43 = arith.constant 0 : i32
      %dma_start3A_44 = arith.constant 0 : i32
      %dma_start3A_45 = tpu.memref_slice %arg2[%add3A, %dma_start3A_43, %dma_start3A_44] : memref<32x80x128xi32, #tpu.memory_space<hbm>> -> memref<1x80x128xi32, #tpu.memory_space<hbm>>
      %dma_start3A_46 = tpu.memref_squeeze %dma_start3A_45 : memref<1x80x128xi32, #tpu.memory_space<hbm>> -> memref<80x128xi32, #tpu.memory_space<hbm>>
      %dma_start3A_47 = arith.constant 0 : i32
      %dma_start3A_48 = arith.constant 0 : i32
      %dma_start3A_49 = tpu.memref_slice %arg2[%add3A, %dma_start3A_47, %dma_start3A_48] : memref<32x80x128xi32, #tpu.memory_space<hbm>> -> memref<1x80x128xi32, #tpu.memory_space<hbm>>
      %dma_start3A_50 = tpu.memref_squeeze %dma_start3A_49 : memref<1x80x128xi32, #tpu.memory_space<hbm>> -> memref<80x128xi32, #tpu.memory_space<hbm>>
      tpu.enqueue_dma source(%dma_start3A_50 : memref<80x128xi32, #tpu.memory_space<hbm>>) target(%arg6 : memref<80x128xi32, #tpu.memory_space<vmem>>) target_semaphore(%run_scoped3A : memref<!tpu.dma_semaphore, #tpu.memory_space<semaphore_mem>>)
      %dma_wait3A = arith.constant 0 : i32
      %dma_wait3A_51 = arith.constant 0 : i32
      %dma_wait3A_52 = tpu.memref_slice %arg2[%add3A, %dma_wait3A, %dma_wait3A_51] : memref<32x80x128xi32, #tpu.memory_space<hbm>> -> memref<1x80x128xi32, #tpu.memory_space<hbm>>
      %dma_wait3A_53 = tpu.memref_squeeze %dma_wait3A_52 : memref<1x80x128xi32, #tpu.memory_space<hbm>> -> memref<80x128xi32, #tpu.memory_space<hbm>>
      %dma_wait3A_54 = arith.constant 0 : i32
      %dma_wait3A_55 = arith.constant 0 : i32
      %dma_wait3A_56 = tpu.memref_slice %arg2[%add3A, %dma_wait3A_54, %dma_wait3A_55] : memref<32x80x128xi32, #tpu.memory_space<hbm>> -> memref<1x80x128xi32, #tpu.memory_space<hbm>>
      %dma_wait3A_57 = tpu.memref_squeeze %dma_wait3A_56 : memref<1x80x128xi32, #tpu.memory_space<hbm>> -> memref<80x128xi32, #tpu.memory_space<hbm>>
      tpu.wait_dma2 semaphore(%run_scoped3A : memref<!tpu.dma_semaphore, #tpu.memory_space<semaphore_mem>>) src(%dma_wait3A_57 : memref<80x128xi32, #tpu.memory_space<hbm>>) dst(%arg6 : memref<80x128xi32, #tpu.memory_space<vmem>>)
      tpu.yield
    }) : () -> ()
    "tpu.region"() ({
      %run_scoped3A = tpu.sem_alloc : memref<!tpu.dma_semaphore, #tpu.memory_space<semaphore_mem>>
      %dma_start3A_43 = arith.constant 0 : i32
      %dma_start3A_44 = arith.constant 0 : i32
      %dma_start3A_45 = tpu.memref_slice %arg3[%add3A, %dma_start3A_43, %dma_start3A_44] : memref<32x80x128xi32, #tpu.memory_space<hbm>> -> memref<1x80x128xi32, #tpu.memory_space<hbm>>
      %dma_start3A_46 = tpu.memref_squeeze %dma_start3A_45 : memref<1x80x128xi32, #tpu.memory_space<hbm>> -> memref<80x128xi32, #tpu.memory_space<hbm>>
      %dma_start3A_47 = arith.constant 0 : i32
      %dma_start3A_48 = arith.constant 0 : i32
      %dma_start3A_49 = tpu.memref_slice %arg3[%add3A, %dma_start3A_47, %dma_start3A_48] : memref<32x80x128xi32, #tpu.memory_space<hbm>> -> memref<1x80x128xi32, #tpu.memory_space<hbm>>
      %dma_start3A_50 = tpu.memref_squeeze %dma_start3A_49 : memref<1x80x128xi32, #tpu.memory_space<hbm>> -> memref<80x128xi32, #tpu.memory_space<hbm>>
      tpu.enqueue_dma source(%dma_start3A_50 : memref<80x128xi32, #tpu.memory_space<hbm>>) target(%arg7 : memref<80x128xi32, #tpu.memory_space<vmem>>) target_semaphore(%run_scoped3A : memref<!tpu.dma_semaphore, #tpu.memory_space<semaphore_mem>>)
      %dma_wait3A = arith.constant 0 : i32
      %dma_wait3A_51 = arith.constant 0 : i32
      %dma_wait3A_52 = tpu.memref_slice %arg3[%add3A, %dma_wait3A, %dma_wait3A_51] : memref<32x80x128xi32, #tpu.memory_space<hbm>> -> memref<1x80x128xi32, #tpu.memory_space<hbm>>
      %dma_wait3A_53 = tpu.memref_squeeze %dma_wait3A_52 : memref<1x80x128xi32, #tpu.memory_space<hbm>> -> memref<80x128xi32, #tpu.memory_space<hbm>>
      %dma_wait3A_54 = arith.constant 0 : i32
      %dma_wait3A_55 = arith.constant 0 : i32
      %dma_wait3A_56 = tpu.memref_slice %arg3[%add3A, %dma_wait3A_54, %dma_wait3A_55] : memref<32x80x128xi32, #tpu.memory_space<hbm>> -> memref<1x80x128xi32, #tpu.memory_space<hbm>>
      %dma_wait3A_57 = tpu.memref_squeeze %dma_wait3A_56 : memref<1x80x128xi32, #tpu.memory_space<hbm>> -> memref<80x128xi32, #tpu.memory_space<hbm>>
      tpu.wait_dma2 semaphore(%run_scoped3A : memref<!tpu.dma_semaphore, #tpu.memory_space<semaphore_mem>>) src(%dma_wait3A_57 : memref<80x128xi32, #tpu.memory_space<hbm>>) dst(%arg7 : memref<80x128xi32, #tpu.memory_space<vmem>>)
      tpu.yield
    }) : () -> ()
    %barrier3A = arith.constant 0 : index
    tpu.barrier barrier_id(%barrier3A)
    %dma_start3A = arith.constant 0 : i32
    %dma_start3A_23 = arith.constant 0 : i32
    %dma_start3A_24 = tpu.memref_slice %arg6[%dma_start3A, %dma_start3A_23] : memref<80x128xi32, #tpu.memory_space<vmem>> -> memref<1x128xi32, #tpu.memory_space<vmem>>
    %dma_start3A_25 = tpu.memref_squeeze %dma_start3A_24 : memref<1x128xi32, #tpu.memory_space<vmem>> -> memref<128xi32, #tpu.memory_space<vmem>>
    %dma_start3A_26 = arith.constant 0 : i32
    %dma_start3A_27 = arith.constant 0 : i32
    %dma_start3A_28 = tpu.memref_slice %arg11[%dma_start3A_26, %dma_start3A_27] : memref<10240x64xf32, #tpu.memory_space<vmem_shared>> -> memref<10240x64xf32, #tpu.memory_space<vmem_shared>>
    tpu.enqueue_indirect_dma source(%dma_start3A_28 : memref<10240x64xf32, #tpu.memory_space<vmem_shared>>) target(%arg8 : memref<128x64xf32, #tpu.memory_space<vmem>>) offsets(%dma_start3A_25 : memref<128xi32, #tpu.memory_space<vmem>>) semaphore(%arg12 : memref<!tpu.dma_semaphore, #tpu.memory_space<semaphore_mem>>)
    %dma_start3A_29 = arith.constant 1 : i32
    %dma_start3A_30 = arith.constant 0 : i32
    %dma_start3A_31 = tpu.memref_slice %arg6[%dma_start3A_29, %dma_start3A_30] : memref<80x128xi32, #tpu.memory_space<vmem>> -> memref<1x128xi32, #tpu.memory_space<vmem>>
    %dma_start3A_32 = tpu.memref_squeeze %dma_start3A_31 : memref<1x128xi32, #tpu.memory_space<vmem>> -> memref<128xi32, #tpu.memory_space<vmem>>
    %dma_start3A_33 = arith.constant 0 : i32
    %dma_start3A_34 = arith.constant 0 : i32
    %dma_start3A_35 = tpu.memref_slice %arg11[%dma_start3A_33, %dma_start3A_34] : memref<10240x64xf32, #tpu.memory_space<vmem_shared>> -> memref<10240x64xf32, #tpu.memory_space<vmem_shared>>
    tpu.enqueue_indirect_dma source(%dma_start3A_35 : memref<10240x64xf32, #tpu.memory_space<vmem_shared>>) target(%arg9 : memref<128x64xf32, #tpu.memory_space<vmem>>) offsets(%dma_start3A_32 : memref<128xi32, #tpu.memory_space<vmem>>) semaphore(%arg13 : memref<!tpu.dma_semaphore, #tpu.memory_space<semaphore_mem>>)
    %scan3A_36 = arith.constant 0 : i32
    %scan3A_37 = arith.constant 0 : i32
    %scan3A_38 = arith.constant 40 : i32
    %scan3A_39 = arith.addi %scan3A_37, %scan3A_38 : i32
    %scan3A_40 = arith.constant 1 : i32
    scf.for %scan3A_43 = %scan3A_37 to %scan3A_39 step %scan3A_40  : i32 {
      %mul3A_44 = arith.constant 2 : i32
      %mul3A_45 = arith.muli %mul3A_44, %scan3A_43 : i32
      %dma_wait3A = arith.constant 0 : i32
      %dma_wait3A_46 = tpu.memref_slice %arg6[%mul3A_45, %dma_wait3A] : memref<80x128xi32, #tpu.memory_space<vmem>> -> memref<1x128xi32, #tpu.memory_space<vmem>>
      %dma_wait3A_47 = tpu.memref_squeeze %dma_wait3A_46 : memref<1x128xi32, #tpu.memory_space<vmem>> -> memref<128xi32, #tpu.memory_space<vmem>>
      %dma_wait3A_48 = arith.constant 0 : i32
      %dma_wait3A_49 = arith.constant 0 : i32
      %dma_wait3A_50 = tpu.memref_slice %arg11[%dma_wait3A_48, %dma_wait3A_49] : memref<10240x64xf32, #tpu.memory_space<vmem_shared>> -> memref<10240x64xf32, #tpu.memory_space<vmem_shared>>
      tpu.wait_indirect_dma semaphore(%arg12 : memref<!tpu.dma_semaphore, #tpu.memory_space<semaphore_mem>>) src(%dma_wait3A_50 : memref<10240x64xf32, #tpu.memory_space<vmem_shared>>) dst(%arg8 : memref<128x64xf32, #tpu.memory_space<vmem>>)
      "tpu.region"() ({
        %run_scoped3A = tpu.sem_alloc : memref<!tpu.dma_semaphore, #tpu.memory_space<semaphore_mem>>
        %dma_start3A_72 = arith.constant 0 : i32
        %dma_start3A_73 = tpu.memref_slice %arg7[%mul3A_45, %dma_start3A_72] : memref<80x128xi32, #tpu.memory_space<vmem>> -> memref<1x128xi32, #tpu.memory_space<vmem>>
        %dma_start3A_74 = tpu.memref_squeeze %dma_start3A_73 : memref<1x128xi32, #tpu.memory_space<vmem>> -> memref<128xi32, #tpu.memory_space<vmem>>
        %dma_start3A_75 = arith.constant 0 : i32
        %dma_start3A_76 = arith.constant 0 : i32
        %dma_start3A_77 = tpu.memref_slice %arg10[%dma_start3A_75, %dma_start3A_76] : memref<10240x64xf32, #tpu.memory_space<vmem_shared>> -> memref<10240x64xf32, #tpu.memory_space<vmem_shared>>
        tpu.enqueue_indirect_dma source(%arg8 : memref<128x64xf32, #tpu.memory_space<vmem>>) target(%dma_start3A_77 : memref<10240x64xf32, #tpu.memory_space<vmem_shared>>) offsets(%dma_start3A_74 : memref<128xi32, #tpu.memory_space<vmem>>) semaphore(%run_scoped3A : memref<!tpu.dma_semaphore, #tpu.memory_space<semaphore_mem>>) {add = true}
        %dma_wait3A_78 = arith.constant 0 : i32
        %dma_wait3A_79 = tpu.memref_slice %arg7[%mul3A_45, %dma_wait3A_78] : memref<80x128xi32, #tpu.memory_space<vmem>> -> memref<1x128xi32, #tpu.memory_space<vmem>>
        %dma_wait3A_80 = tpu.memref_squeeze %dma_wait3A_79 : memref<1x128xi32, #tpu.memory_space<vmem>> -> memref<128xi32, #tpu.memory_space<vmem>>
        %dma_wait3A_81 = arith.constant 0 : i32
        %dma_wait3A_82 = arith.constant 0 : i32
        %dma_wait3A_83 = tpu.memref_slice %arg10[%dma_wait3A_81, %dma_wait3A_82] : memref<10240x64xf32, #tpu.memory_space<vmem_shared>> -> memref<10240x64xf32, #tpu.memory_space<vmem_shared>>
        tpu.wait_indirect_dma semaphore(%run_scoped3A : memref<!tpu.dma_semaphore, #tpu.memory_space<semaphore_mem>>) src(%arg8 : memref<128x64xf32, #tpu.memory_space<vmem>>) dst(%dma_wait3A_83 : memref<10240x64xf32, #tpu.memory_space<vmem_shared>>)
        tpu.yield
      }) : () -> ()
      %add3A_51 = arith.constant 2 : i32
      %add3A_52 = arith.addi %mul3A_45, %add3A_51 : i32
      %lt3A = arith.constant 80 : i32
      %lt3A_53 = arith.cmpi slt, %add3A_52, %lt3A : i32
      %convert_element_type3A = arith.extui %lt3A_53 : i1 to i32
      %cond3A = arith.constant 0 : i32
      %cond3A_54 = arith.cmpi ne, %convert_element_type3A, %cond3A : i32
      scf.if %cond3A_54 {
        %add3A_72 = arith.constant 2 : i32
        %add3A_73 = arith.addi %mul3A_45, %add3A_72 : i32
        %dma_start3A_74 = arith.constant 0 : i32
        %dma_start3A_75 = tpu.memref_slice %arg6[%add3A_73, %dma_start3A_74] : memref<80x128xi32, #tpu.memory_space<vmem>> -> memref<1x128xi32, #tpu.memory_space<vmem>>
        %dma_start3A_76 = tpu.memref_squeeze %dma_start3A_75 : memref<1x128xi32, #tpu.memory_space<vmem>> -> memref<128xi32, #tpu.memory_space<vmem>>
        %dma_start3A_77 = arith.constant 0 : i32
        %dma_start3A_78 = arith.constant 0 : i32
        %dma_start3A_79 = tpu.memref_slice %arg11[%dma_start3A_77, %dma_start3A_78] : memref<10240x64xf32, #tpu.memory_space<vmem_shared>> -> memref<10240x64xf32, #tpu.memory_space<vmem_shared>>
        tpu.enqueue_indirect_dma source(%dma_start3A_79 : memref<10240x64xf32, #tpu.memory_space<vmem_shared>>) target(%arg8 : memref<128x64xf32, #tpu.memory_space<vmem>>) offsets(%dma_start3A_76 : memref<128xi32, #tpu.memory_space<vmem>>) semaphore(%arg12 : memref<!tpu.dma_semaphore, #tpu.memory_space<semaphore_mem>>)
      } else {
      }
      %add3A_55 = arith.constant 1 : i32
      %add3A_56 = arith.addi %mul3A_45, %add3A_55 : i32
      %dma_wait3A_57 = arith.constant 0 : i32
      %dma_wait3A_58 = tpu.memref_slice %arg6[%add3A_56, %dma_wait3A_57] : memref<80x128xi32, #tpu.memory_space<vmem>> -> memref<1x128xi32, #tpu.memory_space<vmem>>
      %dma_wait3A_59 = tpu.memref_squeeze %dma_wait3A_58 : memref<1x128xi32, #tpu.memory_space<vmem>> -> memref<128xi32, #tpu.memory_space<vmem>>
      %dma_wait3A_60 = arith.constant 0 : i32
      %dma_wait3A_61 = arith.constant 0 : i32
      %dma_wait3A_62 = tpu.memref_slice %arg11[%dma_wait3A_60, %dma_wait3A_61] : memref<10240x64xf32, #tpu.memory_space<vmem_shared>> -> memref<10240x64xf32, #tpu.memory_space<vmem_shared>>
      tpu.wait_indirect_dma semaphore(%arg13 : memref<!tpu.dma_semaphore, #tpu.memory_space<semaphore_mem>>) src(%dma_wait3A_62 : memref<10240x64xf32, #tpu.memory_space<vmem_shared>>) dst(%arg9 : memref<128x64xf32, #tpu.memory_space<vmem>>)
      %add3A_63 = arith.constant 1 : i32
      %add3A_64 = arith.addi %mul3A_45, %add3A_63 : i32
      "tpu.region"() ({
        %run_scoped3A = tpu.sem_alloc : memref<!tpu.dma_semaphore, #tpu.memory_space<semaphore_mem>>
        %dma_start3A_72 = arith.constant 0 : i32
        %dma_start3A_73 = tpu.memref_slice %arg7[%add3A_64, %dma_start3A_72] : memref<80x128xi32, #tpu.memory_space<vmem>> -> memref<1x128xi32, #tpu.memory_space<vmem>>
        %dma_start3A_74 = tpu.memref_squeeze %dma_start3A_73 : memref<1x128xi32, #tpu.memory_space<vmem>> -> memref<128xi32, #tpu.memory_space<vmem>>
        %dma_start3A_75 = arith.constant 0 : i32
        %dma_start3A_76 = arith.constant 0 : i32
        %dma_start3A_77 = tpu.memref_slice %arg10[%dma_start3A_75, %dma_start3A_76] : memref<10240x64xf32, #tpu.memory_space<vmem_shared>> -> memref<10240x64xf32, #tpu.memory_space<vmem_shared>>
        tpu.enqueue_indirect_dma source(%arg9 : memref<128x64xf32, #tpu.memory_space<vmem>>) target(%dma_start3A_77 : memref<10240x64xf32, #tpu.memory_space<vmem_shared>>) offsets(%dma_start3A_74 : memref<128xi32, #tpu.memory_space<vmem>>) semaphore(%run_scoped3A : memref<!tpu.dma_semaphore, #tpu.memory_space<semaphore_mem>>) {add = true}
        %dma_wait3A_78 = arith.constant 0 : i32
        %dma_wait3A_79 = tpu.memref_slice %arg7[%add3A_64, %dma_wait3A_78] : memref<80x128xi32, #tpu.memory_space<vmem>> -> memref<1x128xi32, #tpu.memory_space<vmem>>
        %dma_wait3A_80 = tpu.memref_squeeze %dma_wait3A_79 : memref<1x128xi32, #tpu.memory_space<vmem>> -> memref<128xi32, #tpu.memory_space<vmem>>
        %dma_wait3A_81 = arith.constant 0 : i32
        %dma_wait3A_82 = arith.constant 0 : i32
        %dma_wait3A_83 = tpu.memref_slice %arg10[%dma_wait3A_81, %dma_wait3A_82] : memref<10240x64xf32, #tpu.memory_space<vmem_shared>> -> memref<10240x64xf32, #tpu.memory_space<vmem_shared>>
        tpu.wait_indirect_dma semaphore(%run_scoped3A : memref<!tpu.dma_semaphore, #tpu.memory_space<semaphore_mem>>) src(%arg9 : memref<128x64xf32, #tpu.memory_space<vmem>>) dst(%dma_wait3A_83 : memref<10240x64xf32, #tpu.memory_space<vmem_shared>>)
        tpu.yield
      }) : () -> ()
      %add3A_65 = arith.constant 3 : i32
      %add3A_66 = arith.addi %mul3A_45, %add3A_65 : i32
      %lt3A_67 = arith.constant 80 : i32
      %lt3A_68 = arith.cmpi slt, %add3A_66, %lt3A_67 : i32
      %convert_element_type3A_69 = arith.extui %lt3A_68 : i1 to i32
      %cond3A_70 = arith.constant 0 : i32
      %cond3A_71 = arith.cmpi ne, %convert_element_type3A_69, %cond3A_70 : i32
      scf.if %cond3A_71 {
        %add3A_72 = arith.constant 3 : i32
        %add3A_73 = arith.addi %mul3A_45, %add3A_72 : i32
        %dma_start3A_74 = arith.constant 0 : i32
        %dma_start3A_75 = tpu.memref_slice %arg6[%add3A_73, %dma_start3A_74] : memref<80x128xi32, #tpu.memory_space<vmem>> -> memref<1x128xi32, #tpu.memory_space<vmem>>
        %dma_start3A_76 = tpu.memref_squeeze %dma_start3A_75 : memref<1x128xi32, #tpu.memory_space<vmem>> -> memref<128xi32, #tpu.memory_space<vmem>>
        %dma_start3A_77 = arith.constant 0 : i32
        %dma_start3A_78 = arith.constant 0 : i32
        %dma_start3A_79 = tpu.memref_slice %arg11[%dma_start3A_77, %dma_start3A_78] : memref<10240x64xf32, #tpu.memory_space<vmem_shared>> -> memref<10240x64xf32, #tpu.memory_space<vmem_shared>>
        tpu.enqueue_indirect_dma source(%dma_start3A_79 : memref<10240x64xf32, #tpu.memory_space<vmem_shared>>) target(%arg9 : memref<128x64xf32, #tpu.memory_space<vmem>>) offsets(%dma_start3A_76 : memref<128xi32, #tpu.memory_space<vmem>>) semaphore(%arg13 : memref<!tpu.dma_semaphore, #tpu.memory_space<semaphore_mem>>)
      } else {
      }
    }
    %scan3A_41 = arith.constant 40 : i32
    %barrier3A_42 = arith.constant 0 : index
    tpu.barrier barrier_id(%barrier3A_42)
    "tpu.region"() ({
      %run_scoped3A = tpu.sem_alloc : memref<!tpu.dma_semaphore, #tpu.memory_space<semaphore_mem>>
      %dma_start3A_43 = arith.constant 0 : i32
      %dma_start3A_44 = tpu.memref_slice %arg5[%arg0, %mul3A_8, %dma_start3A_43] : memref<2x10240x64xf32, #tpu.memory_space<hbm>> -> memref<1x640x64xf32, #tpu.memory_space<hbm>>
      %dma_start3A_45 = tpu.memref_squeeze %dma_start3A_44 : memref<1x640x64xf32, #tpu.memory_space<hbm>> -> memref<640x64xf32, #tpu.memory_space<hbm>>
      %dma_start3A_46 = arith.constant 0 : i32
      %dma_start3A_47 = tpu.memref_slice %arg10[%mul3A_8, %dma_start3A_46] : memref<10240x64xf32, #tpu.memory_space<vmem_shared>> -> memref<640x64xf32, #tpu.memory_space<vmem_shared>>
      tpu.enqueue_dma source(%dma_start3A_47 : memref<640x64xf32, #tpu.memory_space<vmem_shared>>) target(%dma_start3A_45 : memref<640x64xf32, #tpu.memory_space<hbm>>) target_semaphore(%run_scoped3A : memref<!tpu.dma_semaphore, #tpu.memory_space<semaphore_mem>>)
      %dma_wait3A = arith.constant 0 : i32
      %dma_wait3A_48 = tpu.memref_slice %arg5[%arg0, %mul3A_8, %dma_wait3A] : memref<2x10240x64xf32, #tpu.memory_space<hbm>> -> memref<1x640x64xf32, #tpu.memory_space<hbm>>
      %dma_wait3A_49 = tpu.memref_squeeze %dma_wait3A_48 : memref<1x640x64xf32, #tpu.memory_space<hbm>> -> memref<640x64xf32, #tpu.memory_space<hbm>>
      %dma_wait3A_50 = arith.constant 0 : i32
      %dma_wait3A_51 = tpu.memref_slice %arg10[%mul3A_8, %dma_wait3A_50] : memref<10240x64xf32, #tpu.memory_space<vmem_shared>> -> memref<640x64xf32, #tpu.memory_space<vmem_shared>>
      tpu.wait_dma2 semaphore(%run_scoped3A : memref<!tpu.dma_semaphore, #tpu.memory_space<semaphore_mem>>) src(%dma_wait3A_51 : memref<640x64xf32, #tpu.memory_space<vmem_shared>>) dst(%dma_wait3A_49 : memref<640x64xf32, #tpu.memory_space<hbm>>)
      tpu.yield
    }) : () -> ()
    return
  }
}

#map = affine_map<(d0, d1) -> (0, 0, 0)>
#map1 = affine_map<(d0, d1) -> (0, 0)>
module attributes {stable_mosaic.version = 14 : i64} {
  func.func @deg_kernel(%arg0: i32, %arg1: i32, %arg2: memref<32x80x128xi32, #tpu.memory_space<hbm>>, %arg3: memref<2x10240xf32, #tpu.memory_space<hbm>>, %arg4: memref<80x128xi32, #tpu.memory_space<vmem>>, %arg5: memref<128xf32, #tpu.memory_space<vmem>>, %arg6: memref<640xf32, #tpu.memory_space<vmem>>, %arg7: memref<10240xf32, #tpu.memory_space<vmem_shared>>) attributes {dimension_semantics = [#tpu.dimension_semantics<core_parallel>, #tpu.dimension_semantics<subcore_parallel>], iteration_bounds = array<i64: 2, 16>, scalar_prefetch = 0 : i64, scratch_operands = 4 : i64, tpu.core_type = #tpu.core_type<sc_vector_subcore>, window_params = [{transform_indices = #map}, {transform_indices = #map1}]} {
    %mul3A = arith.constant 2 : i32
    %mul3A_0 = arith.muli %arg1, %mul3A : i32
    %add3A = arith.addi %mul3A_0, %arg0 : i32
    %broadcast_in_dim3A = arith.constant 1.000000e+00 : f32
    %broadcast_in_dim3A_1 = vector.broadcast %broadcast_in_dim3A : f32 to vector<16xf32>
    %broadcast_in_dim3A_2 = arith.constant 0.000000e+00 : f32
    %broadcast_in_dim3A_3 = vector.broadcast %broadcast_in_dim3A_2 : f32 to vector<16xf32>
    %swap3A = arith.constant 0 : index
    %swap3A_4 = tpu.vector_load %arg5[%swap3A] {strides = array<i32>} : memref<128xf32, #tpu.memory_space<vmem>>, vector<16xf32>,
    %swap3A_5 = vector.shape_cast %swap3A_4 : vector<16xf32> to vector<16xf32>
    %swap3A_6 = vector.shape_cast %broadcast_in_dim3A_1 : vector<16xf32> to vector<16xf32>
    tpu.vector_store %arg5[%swap3A], %swap3A_6 {strides = array<i32>} : memref<128xf32, #tpu.memory_space<vmem>>, vector<16xf32>,
    %swap3A_7 = arith.constant 16 : index
    %swap3A_8 = tpu.vector_load %arg5[%swap3A_7] {strides = array<i32>} : memref<128xf32, #tpu.memory_space<vmem>>, vector<16xf32>,
    %swap3A_9 = vector.shape_cast %swap3A_8 : vector<16xf32> to vector<16xf32>
    %swap3A_10 = vector.shape_cast %broadcast_in_dim3A_1 : vector<16xf32> to vector<16xf32>
    tpu.vector_store %arg5[%swap3A_7], %swap3A_10 {strides = array<i32>} : memref<128xf32, #tpu.memory_space<vmem>>, vector<16xf32>,
    %swap3A_11 = arith.constant 32 : index
    %swap3A_12 = tpu.vector_load %arg5[%swap3A_11] {strides = array<i32>} : memref<128xf32, #tpu.memory_space<vmem>>, vector<16xf32>,
    %swap3A_13 = vector.shape_cast %swap3A_12 : vector<16xf32> to vector<16xf32>
    %swap3A_14 = vector.shape_cast %broadcast_in_dim3A_1 : vector<16xf32> to vector<16xf32>
    tpu.vector_store %arg5[%swap3A_11], %swap3A_14 {strides = array<i32>} : memref<128xf32, #tpu.memory_space<vmem>>, vector<16xf32>,
    %swap3A_15 = arith.constant 48 : index
    %swap3A_16 = tpu.vector_load %arg5[%swap3A_15] {strides = array<i32>} : memref<128xf32, #tpu.memory_space<vmem>>, vector<16xf32>,
    %swap3A_17 = vector.shape_cast %swap3A_16 : vector<16xf32> to vector<16xf32>
    %swap3A_18 = vector.shape_cast %broadcast_in_dim3A_1 : vector<16xf32> to vector<16xf32>
    tpu.vector_store %arg5[%swap3A_15], %swap3A_18 {strides = array<i32>} : memref<128xf32, #tpu.memory_space<vmem>>, vector<16xf32>,
    %swap3A_19 = arith.constant 64 : index
    %swap3A_20 = tpu.vector_load %arg5[%swap3A_19] {strides = array<i32>} : memref<128xf32, #tpu.memory_space<vmem>>, vector<16xf32>,
    %swap3A_21 = vector.shape_cast %swap3A_20 : vector<16xf32> to vector<16xf32>
    %swap3A_22 = vector.shape_cast %broadcast_in_dim3A_1 : vector<16xf32> to vector<16xf32>
    tpu.vector_store %arg5[%swap3A_19], %swap3A_22 {strides = array<i32>} : memref<128xf32, #tpu.memory_space<vmem>>, vector<16xf32>,
    %swap3A_23 = arith.constant 80 : index
    %swap3A_24 = tpu.vector_load %arg5[%swap3A_23] {strides = array<i32>} : memref<128xf32, #tpu.memory_space<vmem>>, vector<16xf32>,
    %swap3A_25 = vector.shape_cast %swap3A_24 : vector<16xf32> to vector<16xf32>
    %swap3A_26 = vector.shape_cast %broadcast_in_dim3A_1 : vector<16xf32> to vector<16xf32>
    tpu.vector_store %arg5[%swap3A_23], %swap3A_26 {strides = array<i32>} : memref<128xf32, #tpu.memory_space<vmem>>, vector<16xf32>,
    %swap3A_27 = arith.constant 96 : index
    %swap3A_28 = tpu.vector_load %arg5[%swap3A_27] {strides = array<i32>} : memref<128xf32, #tpu.memory_space<vmem>>, vector<16xf32>,
    %swap3A_29 = vector.shape_cast %swap3A_28 : vector<16xf32> to vector<16xf32>
    %swap3A_30 = vector.shape_cast %broadcast_in_dim3A_1 : vector<16xf32> to vector<16xf32>
    tpu.vector_store %arg5[%swap3A_27], %swap3A_30 {strides = array<i32>} : memref<128xf32, #tpu.memory_space<vmem>>, vector<16xf32>,
    %swap3A_31 = arith.constant 112 : index
    %swap3A_32 = tpu.vector_load %arg5[%swap3A_31] {strides = array<i32>} : memref<128xf32, #tpu.memory_space<vmem>>, vector<16xf32>,
    %swap3A_33 = vector.shape_cast %swap3A_32 : vector<16xf32> to vector<16xf32>
    %swap3A_34 = vector.shape_cast %broadcast_in_dim3A_1 : vector<16xf32> to vector<16xf32>
    tpu.vector_store %arg5[%swap3A_31], %swap3A_34 {strides = array<i32>} : memref<128xf32, #tpu.memory_space<vmem>>, vector<16xf32>,
    %scan3A = arith.constant 0 : i32
    %scan3A_35 = arith.constant 0 : i32
    %scan3A_36 = arith.constant 40 : i32
    %scan3A_37 = arith.addi %scan3A_35, %scan3A_36 : i32
    %scan3A_38 = arith.constant 1 : i32
    scf.for %scan3A_49 = %scan3A_35 to %scan3A_37 step %scan3A_38  : i32 {
      %mul3A_50 = arith.constant 16 : i32
      %mul3A_51 = arith.muli %scan3A_49, %mul3A_50 : i32
      %swap3A_52 = arith.index_cast %mul3A_51 : i32 to index
      %swap3A_53 = tpu.vector_load %arg6[%swap3A_52] {strides = array<i32>} : memref<640xf32, #tpu.memory_space<vmem>>, vector<16xf32>,
      %swap3A_54 = vector.shape_cast %swap3A_53 : vector<16xf32> to vector<16xf32>
      %swap3A_55 = vector.shape_cast %broadcast_in_dim3A_3 : vector<16xf32> to vector<16xf32>
      tpu.vector_store %arg6[%swap3A_52], %swap3A_55 {strides = array<i32>} : memref<640xf32, #tpu.memory_space<vmem>>, vector<16xf32>,
    }
    %scan3A_39 = arith.constant 40 : i32
    %mul3A_40 = arith.constant 640 : i32
    %mul3A_41 = arith.muli %arg1, %mul3A_40 : i32
    "tpu.region"() ({
      %run_scoped3A = tpu.sem_alloc : memref<!tpu.dma_semaphore, #tpu.memory_space<semaphore_mem>>
      %dma_start3A = tpu.memref_slice %arg7[%mul3A_41] : memref<10240xf32, #tpu.memory_space<vmem_shared>> -> memref<640xf32, #tpu.memory_space<vmem_shared>>
      %dma_start3A_49 = tpu.memref_slice %arg7[%mul3A_41] : memref<10240xf32, #tpu.memory_space<vmem_shared>> -> memref<640xf32, #tpu.memory_space<vmem_shared>>
      tpu.enqueue_dma source(%arg6 : memref<640xf32, #tpu.memory_space<vmem>>) target(%dma_start3A_49 : memref<640xf32, #tpu.memory_space<vmem_shared>>) target_semaphore(%run_scoped3A : memref<!tpu.dma_semaphore, #tpu.memory_space<semaphore_mem>>)
      %dma_wait3A = tpu.memref_slice %arg7[%mul3A_41] : memref<10240xf32, #tpu.memory_space<vmem_shared>> -> memref<640xf32, #tpu.memory_space<vmem_shared>>
      %dma_wait3A_50 = tpu.memref_slice %arg7[%mul3A_41] : memref<10240xf32, #tpu.memory_space<vmem_shared>> -> memref<640xf32, #tpu.memory_space<vmem_shared>>
      tpu.wait_dma2 semaphore(%run_scoped3A : memref<!tpu.dma_semaphore, #tpu.memory_space<semaphore_mem>>) src(%arg6 : memref<640xf32, #tpu.memory_space<vmem>>) dst(%dma_wait3A_50 : memref<640xf32, #tpu.memory_space<vmem_shared>>)
      tpu.yield
    }) : () -> ()
    %barrier3A = arith.constant 0 : index
    tpu.barrier barrier_id(%barrier3A)
    "tpu.region"() ({
      %run_scoped3A = tpu.sem_alloc : memref<!tpu.dma_semaphore, #tpu.memory_space<semaphore_mem>>
      %dma_start3A = arith.constant 0 : i32
      %dma_start3A_49 = arith.constant 0 : i32
      %dma_start3A_50 = tpu.memref_slice %arg2[%add3A, %dma_start3A, %dma_start3A_49] : memref<32x80x128xi32, #tpu.memory_space<hbm>> -> memref<1x80x128xi32, #tpu.memory_space<hbm>>
      %dma_start3A_51 = tpu.memref_squeeze %dma_start3A_50 : memref<1x80x128xi32, #tpu.memory_space<hbm>> -> memref<80x128xi32, #tpu.memory_space<hbm>>
      %dma_start3A_52 = arith.constant 0 : i32
      %dma_start3A_53 = arith.constant 0 : i32
      %dma_start3A_54 = tpu.memref_slice %arg2[%add3A, %dma_start3A_52, %dma_start3A_53] : memref<32x80x128xi32, #tpu.memory_space<hbm>> -> memref<1x80x128xi32, #tpu.memory_space<hbm>>
      %dma_start3A_55 = tpu.memref_squeeze %dma_start3A_54 : memref<1x80x128xi32, #tpu.memory_space<hbm>> -> memref<80x128xi32, #tpu.memory_space<hbm>>
      tpu.enqueue_dma source(%dma_start3A_55 : memref<80x128xi32, #tpu.memory_space<hbm>>) target(%arg4 : memref<80x128xi32, #tpu.memory_space<vmem>>) target_semaphore(%run_scoped3A : memref<!tpu.dma_semaphore, #tpu.memory_space<semaphore_mem>>)
      %dma_wait3A = arith.constant 0 : i32
      %dma_wait3A_56 = arith.constant 0 : i32
      %dma_wait3A_57 = tpu.memref_slice %arg2[%add3A, %dma_wait3A, %dma_wait3A_56] : memref<32x80x128xi32, #tpu.memory_space<hbm>> -> memref<1x80x128xi32, #tpu.memory_space<hbm>>
      %dma_wait3A_58 = tpu.memref_squeeze %dma_wait3A_57 : memref<1x80x128xi32, #tpu.memory_space<hbm>> -> memref<80x128xi32, #tpu.memory_space<hbm>>
      %dma_wait3A_59 = arith.constant 0 : i32
      %dma_wait3A_60 = arith.constant 0 : i32
      %dma_wait3A_61 = tpu.memref_slice %arg2[%add3A, %dma_wait3A_59, %dma_wait3A_60] : memref<32x80x128xi32, #tpu.memory_space<hbm>> -> memref<1x80x128xi32, #tpu.memory_space<hbm>>
      %dma_wait3A_62 = tpu.memref_squeeze %dma_wait3A_61 : memref<1x80x128xi32, #tpu.memory_space<hbm>> -> memref<80x128xi32, #tpu.memory_space<hbm>>
      tpu.wait_dma2 semaphore(%run_scoped3A : memref<!tpu.dma_semaphore, #tpu.memory_space<semaphore_mem>>) src(%dma_wait3A_62 : memref<80x128xi32, #tpu.memory_space<hbm>>) dst(%arg4 : memref<80x128xi32, #tpu.memory_space<vmem>>)
      tpu.yield
    }) : () -> ()
    %scan3A_42 = arith.constant 0 : i32
    %scan3A_43 = arith.constant 0 : i32
    %scan3A_44 = arith.constant 80 : i32
    %scan3A_45 = arith.addi %scan3A_43, %scan3A_44 : i32
    %scan3A_46 = arith.constant 1 : i32
    scf.for %scan3A_49 = %scan3A_43 to %scan3A_45 step %scan3A_46  : i32 {
      "tpu.region"() ({
        %run_scoped3A = tpu.sem_alloc : memref<!tpu.dma_semaphore, #tpu.memory_space<semaphore_mem>>
        %dma_start3A = arith.constant 0 : i32
        %dma_start3A_50 = tpu.memref_slice %arg4[%scan3A_49, %dma_start3A] : memref<80x128xi32, #tpu.memory_space<vmem>> -> memref<1x128xi32, #tpu.memory_space<vmem>>
        %dma_start3A_51 = tpu.memref_squeeze %dma_start3A_50 : memref<1x128xi32, #tpu.memory_space<vmem>> -> memref<128xi32, #tpu.memory_space<vmem>>
        %dma_start3A_52 = arith.constant 0 : i32
        %dma_start3A_53 = tpu.memref_slice %arg7[%dma_start3A_52] : memref<10240xf32, #tpu.memory_space<vmem_shared>> -> memref<10240xf32, #tpu.memory_space<vmem_shared>>
        tpu.enqueue_indirect_dma source(%arg5 : memref<128xf32, #tpu.memory_space<vmem>>) target(%dma_start3A_53 : memref<10240xf32, #tpu.memory_space<vmem_shared>>) offsets(%dma_start3A_51 : memref<128xi32, #tpu.memory_space<vmem>>) semaphore(%run_scoped3A : memref<!tpu.dma_semaphore, #tpu.memory_space<semaphore_mem>>) {add = true}
        %dma_wait3A = arith.constant 0 : i32
        %dma_wait3A_54 = tpu.memref_slice %arg4[%scan3A_49, %dma_wait3A] : memref<80x128xi32, #tpu.memory_space<vmem>> -> memref<1x128xi32, #tpu.memory_space<vmem>>
        %dma_wait3A_55 = tpu.memref_squeeze %dma_wait3A_54 : memref<1x128xi32, #tpu.memory_space<vmem>> -> memref<128xi32, #tpu.memory_space<vmem>>
        %dma_wait3A_56 = arith.constant 0 : i32
        %dma_wait3A_57 = tpu.memref_slice %arg7[%dma_wait3A_56] : memref<10240xf32, #tpu.memory_space<vmem_shared>> -> memref<10240xf32, #tpu.memory_space<vmem_shared>>
        tpu.wait_indirect_dma semaphore(%run_scoped3A : memref<!tpu.dma_semaphore, #tpu.memory_space<semaphore_mem>>) src(%arg5 : memref<128xf32, #tpu.memory_space<vmem>>) dst(%dma_wait3A_57 : memref<10240xf32, #tpu.memory_space<vmem_shared>>)
        tpu.yield
      }) : () -> ()
    }
    %scan3A_47 = arith.constant 80 : i32
    %barrier3A_48 = arith.constant 0 : index
    tpu.barrier barrier_id(%barrier3A_48)
    "tpu.region"() ({
      %run_scoped3A = tpu.sem_alloc : memref<!tpu.dma_semaphore, #tpu.memory_space<semaphore_mem>>
      %dma_start3A = tpu.memref_slice %arg3[%arg0, %mul3A_41] : memref<2x10240xf32, #tpu.memory_space<hbm>> -> memref<1x640xf32, #tpu.memory_space<hbm>>
      %dma_start3A_49 = tpu.memref_squeeze %dma_start3A : memref<1x640xf32, #tpu.memory_space<hbm>> -> memref<640xf32, #tpu.memory_space<hbm>>
      %dma_start3A_50 = tpu.memref_slice %arg7[%mul3A_41] : memref<10240xf32, #tpu.memory_space<vmem_shared>> -> memref<640xf32, #tpu.memory_space<vmem_shared>>
      tpu.enqueue_dma source(%dma_start3A_50 : memref<640xf32, #tpu.memory_space<vmem_shared>>) target(%dma_start3A_49 : memref<640xf32, #tpu.memory_space<hbm>>) target_semaphore(%run_scoped3A : memref<!tpu.dma_semaphore, #tpu.memory_space<semaphore_mem>>)
      %dma_wait3A = tpu.memref_slice %arg3[%arg0, %mul3A_41] : memref<2x10240xf32, #tpu.memory_space<hbm>> -> memref<1x640xf32, #tpu.memory_space<hbm>>
      %dma_wait3A_51 = tpu.memref_squeeze %dma_wait3A : memref<1x640xf32, #tpu.memory_space<hbm>> -> memref<640xf32, #tpu.memory_space<hbm>>
      %dma_wait3A_52 = tpu.memref_slice %arg7[%mul3A_41] : memref<10240xf32, #tpu.memory_space<vmem_shared>> -> memref<640xf32, #tpu.memory_space<vmem_shared>>
      tpu.wait_dma2 semaphore(%run_scoped3A : memref<!tpu.dma_semaphore, #tpu.memory_space<semaphore_mem>>) src(%dma_wait3A_52 : memref<640xf32, #tpu.memory_space<vmem_shared>>) dst(%dma_wait3A_51 : memref<640xf32, #tpu.memory_space<hbm>>)
      tpu.yield
    }) : () -> ()
    return
  }
}

module attributes {stable_mosaic.version = 14 : i64} {
  func.func @body(%arg0: i32, %arg1: memref<2000x128xf32, #tpu.memory_space<vmem>>, %arg2: memref<64x128xf32, #tpu.memory_space<vmem>>, %arg3: memref<2000x2xf32, #tpu.memory_space<vmem>>, %arg4: memref<2000x64xf32, #tpu.memory_space<vmem>>, %arg5: memref<2000x1xf32, #tpu.memory_space<vmem>>, %arg6: memref<2000x1xf32, #tpu.memory_space<vmem>>) attributes {dimension_semantics = [#tpu.dimension_semantics<arbitrary>], iteration_bounds = array<i64: 5>, scalar_prefetch = 0 : i64, scratch_operands = 0 : i64, tpu.core_type = #tpu.core_type<tc>, window_params = [{transform_indices = @transform_0, window_bounds = array<i64: 2000, 128>}, {pipeline_mode = #tpu.pipeline_mode<synchronous>, transform_indices = @transform_1, window_bounds = array<i64: 64, 128>}, {transform_indices = @transform_2, window_bounds = array<i64: 2000, 2>}, {transform_indices = @transform_3, window_bounds = array<i64: 2000, 64>}, {transform_indices = @transform_4, window_bounds = array<i64: 2000, 1>}, {transform_indices = @transform_5, window_bounds = array<i64: 2000, 1>}]} {
    %get3A = arith.constant 0 : index
    %get3A_0 = arith.constant 0 : index
    %get3A_1 = vector.load %arg3[%get3A, %get3A_0] : memref<2000x2xf32, #tpu.memory_space<vmem>>, vector<2000x2xf32>
    %reduce_sum3A = arith.constant dense<0.000000e+00> : vector<2000xf32>
    %reduce_sum3A_2 = vector.multi_reduction <add>, %get3A_1, %reduce_sum3A [1] : vector<2000x2xf32> to vector<2000xf32>
    %broadcast_in_dim3A = vector.shape_cast %reduce_sum3A_2 : vector<2000xf32> to vector<2000x1xf32>
    %add3A = arith.constant 1.000000e+00 : f32
    %add3A_3 = vector.broadcast %add3A : f32 to vector<2000x1xf32>
    %add3A_4 = arith.addf %broadcast_in_dim3A, %add3A_3 : vector<2000x1xf32>
    %rsqrt3A = math.rsqrt %add3A_4 : vector<2000x1xf32>
    %get3A_5 = arith.constant 0 : index
    %get3A_6 = arith.constant 0 : index
    %get3A_7 = vector.load %arg1[%get3A_5, %get3A_6] : memref<2000x128xf32, #tpu.memory_space<vmem>>, vector<2000x128xf32>
    %get3A_8 = arith.constant 0 : index
    %get3A_9 = arith.constant 0 : index
    %get3A_10 = vector.load %arg2[%get3A_8, %get3A_9] : memref<64x128xf32, #tpu.memory_space<vmem>>, vector<64x128xf32>
    %dot_general3A = arith.constant dense<0.000000e+00> : vector<2000x64xf32>
    %dot_general3A_11 = tpu.matmul %get3A_7, %get3A_10, %dot_general3A {dimension_numbers = #tpu.dot_dimension_numbers<[1], [1], [0], [0], [0, 0, 1, 0], [], []>, transpose_lhs_hint = false} : vector<2000x128xf32>, vector<64x128xf32>, vector<2000x64xf32> -> vector<2000x64xf32>
    %mul3A = vector.broadcast %rsqrt3A : vector<2000x1xf32> to vector<2000x64xf32>
    %mul3A_12 = arith.mulf %dot_general3A_11, %mul3A : vector<2000x64xf32>
    %swap3A = arith.constant 0 : index
    %swap3A_13 = arith.constant 0 : index
    %swap3A_14 = vector.load %arg4[%swap3A, %swap3A_13] : memref<2000x64xf32, #tpu.memory_space<vmem>>, vector<2000x64xf32>
    tpu.vector_store %arg4[%swap3A, %swap3A_13], %mul3A_12 {strides = array<i32>} : memref<2000x64xf32, #tpu.memory_space<vmem>>, vector<2000x64xf32>,
    %mul3A_15 = arith.mulf %rsqrt3A, %rsqrt3A : vector<2000x1xf32>
    %swap3A_16 = arith.constant 0 : index
    %swap3A_17 = arith.constant 0 : index
    %swap3A_18 = vector.load %arg5[%swap3A_16, %swap3A_17] : memref<2000x1xf32, #tpu.memory_space<vmem>>, vector<2000x1xf32>
    tpu.vector_store %arg5[%swap3A_16, %swap3A_17], %mul3A_15 {strides = array<i32>} : memref<2000x1xf32, #tpu.memory_space<vmem>>, vector<2000x1xf32>,
    %swap3A_19 = arith.constant 0 : index
    %swap3A_20 = arith.constant 0 : index
    %swap3A_21 = vector.load %arg6[%swap3A_19, %swap3A_20] : memref<2000x1xf32, #tpu.memory_space<vmem>>, vector<2000x1xf32>
    tpu.vector_store %arg6[%swap3A_19, %swap3A_20], %rsqrt3A {strides = array<i32>} : memref<2000x1xf32, #tpu.memory_space<vmem>>, vector<2000x1xf32>,
    return
  }
  func.func @transform_0(%arg0: i32) -> (i32, i32) {
    %c0_i32 = arith.constant 0 : i32
    %c0_i32_0 = arith.constant 0 : i32
    return %arg0, %c0_i32 : i32, i32
  }
  func.func @transform_1(%arg0: i32) -> (i32, i32) {
    %c0_i32 = arith.constant 0 : i32
    %c0_i32_0 = arith.constant 0 : i32
    %c0_i32_1 = arith.constant 0 : i32
    return %c0_i32, %c0_i32_0 : i32, i32
  }
  func.func @transform_2(%arg0: i32) -> (i32, i32) {
    %c0_i32 = arith.constant 0 : i32
    %c0_i32_0 = arith.constant 0 : i32
    return %arg0, %c0_i32 : i32, i32
  }
  func.func @transform_3(%arg0: i32) -> (i32, i32) {
    %c0_i32 = arith.constant 0 : i32
    %c0_i32_0 = arith.constant 0 : i32
    return %arg0, %c0_i32 : i32, i32
  }
  func.func @transform_4(%arg0: i32) -> (i32, i32) {
    %c0_i32 = arith.constant 0 : i32
    %c0_i32_0 = arith.constant 0 : i32
    return %arg0, %c0_i32 : i32, i32
  }
  func.func @transform_5(%arg0: i32) -> (i32, i32) {
    %c0_i32 = arith.constant 0 : i32
    %c0_i32_0 = arith.constant 0 : i32
    return %arg0, %c0_i32 : i32, i32
  }
}

module attributes {stable_mosaic.version = 14 : i64} {
  func.func @body(%arg0: i32, %arg1: memref<2x2000x64xf32, #tpu.memory_space<vmem>>, %arg2: memref<2000x64xf32, #tpu.memory_space<vmem>>, %arg3: memref<2000x1xf32, #tpu.memory_space<vmem>>, %arg4: memref<2000x64xf32, #tpu.memory_space<vmem>>) attributes {dimension_semantics = [#tpu.dimension_semantics<arbitrary>], iteration_bounds = array<i64: 5>, scalar_prefetch = 0 : i64, scratch_operands = 0 : i64, tpu.core_type = #tpu.core_type<tc>, window_params = [{transform_indices = @transform_0, window_bounds = array<i64: 2, 2000, 64>}, {transform_indices = @transform_1, window_bounds = array<i64: 2000, 64>}, {transform_indices = @transform_2, window_bounds = array<i64: 2000, 1>}, {transform_indices = @transform_3, window_bounds = array<i64: 2000, 64>}]} {
    %get3A = arith.constant 0 : index
    %get3A_0 = arith.constant 0 : index
    %get3A_1 = arith.constant 0 : index
    %get3A_2 = vector.load %arg1[%get3A, %get3A_0, %get3A_1] : memref<2x2000x64xf32, #tpu.memory_space<vmem>>, vector<1x2000x64xf32>
    %get3A_3 = vector.shape_cast %get3A_2 : vector<1x2000x64xf32> to vector<2000x64xf32>
    %get3A_4 = arith.constant 1 : index
    %get3A_5 = arith.constant 0 : index
    %get3A_6 = arith.constant 0 : index
    %get3A_7 = vector.load %arg1[%get3A_4, %get3A_5, %get3A_6] : memref<2x2000x64xf32, #tpu.memory_space<vmem>>, vector<1x2000x64xf32>
    %get3A_8 = vector.shape_cast %get3A_7 : vector<1x2000x64xf32> to vector<2000x64xf32>
    %add3A = arith.addf %get3A_3, %get3A_8 : vector<2000x64xf32>
    %get3A_9 = arith.constant 0 : index
    %get3A_10 = arith.constant 0 : index
    %get3A_11 = vector.load %arg3[%get3A_9, %get3A_10] : memref<2000x1xf32, #tpu.memory_space<vmem>>, vector<2000x1xf32>
    %get3A_12 = arith.constant 0 : index
    %get3A_13 = arith.constant 0 : index
    %get3A_14 = vector.load %arg2[%get3A_12, %get3A_13] : memref<2000x64xf32, #tpu.memory_space<vmem>>, vector<2000x64xf32>
    %add3A_15 = arith.addf %add3A, %get3A_14 : vector<2000x64xf32>
    %mul3A = vector.broadcast %get3A_11 : vector<2000x1xf32> to vector<2000x64xf32>
    %mul3A_16 = arith.mulf %mul3A, %add3A_15 : vector<2000x64xf32>
    %swap3A = arith.constant 0 : index
    %swap3A_17 = arith.constant 0 : index
    %swap3A_18 = vector.load %arg4[%swap3A, %swap3A_17] : memref<2000x64xf32, #tpu.memory_space<vmem>>, vector<2000x64xf32>
    tpu.vector_store %arg4[%swap3A, %swap3A_17], %mul3A_16 {strides = array<i32>} : memref<2000x64xf32, #tpu.memory_space<vmem>>, vector<2000x64xf32>,
    return
  }
  func.func @transform_0(%arg0: i32) -> (i32, i32, i32) {
    %c0_i32 = arith.constant 0 : i32
    %c0_i32_0 = arith.constant 0 : i32
    %c0_i32_1 = arith.constant 0 : i32
    return %c0_i32, %arg0, %c0_i32_0 : i32, i32, i32
  }
  func.func @transform_1(%arg0: i32) -> (i32, i32) {
    %c0_i32 = arith.constant 0 : i32
    %c0_i32_0 = arith.constant 0 : i32
    return %arg0, %c0_i32 : i32, i32
  }
  func.func @transform_2(%arg0: i32) -> (i32, i32) {
    %c0_i32 = arith.constant 0 : i32
    %c0_i32_0 = arith.constant 0 : i32
    return %arg0, %c0_i32 : i32, i32
  }
  func.func @transform_3(%arg0: i32) -> (i32, i32) {
    %c0_i32 = arith.constant 0 : i32
    %c0_i32_0 = arith.constant 0 : i32
    return %arg0, %c0_i32 : i32, i32
  }
}

</mosaic_0001>

<sc_bundles>
// kernel: kernel.11.cloned.1.call-start
scs
__scs_entry_jumppad:
0x0: {  	(pc) =	sbr.rel $0x88, $3  }
0x1: {  	(tag) =	ssettag $0x0;
	lr =	simm.s32 $0x1  }
0x2: {  	[smem:$0x3F9E] =	sst lr;
	_ =	strace $0xD0000000  }
0x3: {  	_ = 	snop  }
0x4: {  	_ = 	snop  }
0x5: {  	_ = 	snop  }
0x6: {  	_ = 	snop  }
0x7: {  	_ = 	snop  }
__scs_overlays_trampoline_lowered:
0x8: {  	[smem:$0x3FAD] =	sst s0  }
0x9: {  	[smem:$0x3FAE] =	sst s1  }
0xa: {  	[smem:$0x3FAF] =	sst s2  }
0xb: {  	[smem:$0x3FB0] =	sst s3  }
0xc: {  	[smem:$0x3FB1] =	sst s4  }
0xd: {  	[smem:$0x3FB2] =	sst s5  }
0xe: {  	[smem:$0x3FB3] =	sst s6  }
0xf: {  	[smem:$0x3FB4] =	sst s7  }
0x10: {  	[smem:$0x3FB5] =	sst s8  }
0x11: {  	[smem:$0x3FB6] =	sst s9;
	s0 =	simm.s32 @!p0 $0x0  }
0x12: {  	s1 =	sld [smem:$0x3F9C];
	s0 =	simm.s32 @p0 $0x1  }
0x13: {  	[smem:$0x3FB7] =	sst s0;
	s0 =	simm.s32 @!p1 $0x0  }
0x14: {  	s2 =	sld [smem:$0x3F9B];
	s0 =	simm.s32 @p1 $0x1  }
0x15: {  	[smem:$0x3FB8] =	sst s0;
	s0 =	simm.s32 @!p2 $0x0  }
0x16: {  	s3 =	sld [smem:$0x3FDB];
	s0 =	simm.s32 @p2 $0x1  }
0x17: {  	s4 =	simm.s32 $0x1BF5;
	[smem:$0x3FBA] =	sst s0  }
0x18: {  	s0 =	sld [smem:$0x3F9D];
	_ =	swait.ge [sflag:s4], $0x0  }
0x19: {  	s7 =	sld [smem:$0x3F9E]  }
0x1a: {  	s8 =	sadd.s32 $0xFFFFE003, lr  }
0x1b: {  	s9 =	sadd.s32 $0xFFFFFEF7, lr;
	s5 =	simm.s32 $0xFFFFFFFF;
	p2 =	slt.u32 s8, $0xFFFFF086  }
0x1c: {  	p1 =	slt.u32 s9, $0xF7A;
	s5 =	simm.s32 @!p2 $0x0  }
0x1d: {  	s5 =	simm.s32 @p1 $0x1;
	p0 =	seq.s32 s7, s2  }
0x1e: {  	s7 =	smul.u32 @!p0 $0xF7A, s2;
	p2 =	seq.s32 @!p0 s5, $0x0  }
0x1f: {  	s9 =	smul.u32 $0xF7A, s1;
	s8 =	simm.s32 @!p0 $0x1BF5;
	p2 =	por !p2, p0  }
0x20: {  	[sflag:s8] =	ssyncset.s32 @!p0 $0xFFFFF086;
	s6 =	sadd.s32 @!p0 s3, s7;
	s7 =	simm.s32 @!p0 $0x108  }
0x21: {  	s3 =	sadd.s32 s3, s9;
	s6 =	sadd.s32 @!p0 $0x88, s6;
	s7 =	simm.s32 @p2 $0x1082  }
0x22: {  	[simem:s7], [sflag:s8] =	dma.local @!p0 [hbm:s6], $0xF7A  }
0x23: {  	s9 =	sor.u32 $0xD0000000, s2;
	s6 =	simm.s32 $0x108;
	_ =	swait.ge @!p0 [sflag:s8], $0x0  }
0x24: {  	s3 =	sadd.s32 $0x88, s3;
	s6 =	simm.s32 @!p1 $0x1082;
	[sflag:s4] =	ssyncset.s32 $0xFFFFF086  }
0x25: {  	[simem:s6], [sflag:s4] =	dma.local [hbm:s3], $0xF7A  }
0x26: {  	[smem:$0x3F9E] =	sst s1;
	(tag) =	ssettag s2;
	_ =	strace s9  }
0x27: {  	s1 =	sld [smem:$0x3FAE]  }
0x28: {  	s2 =	sld [smem:$0x3FAF]  }
0x29: {  	s4 =	sld [smem:$0x3FB1]  }
0x2a: {  	p0 =	seq.s32 s5, $0x0;
	s5 =	sld [smem:$0x3FB2]  }
0x2b: {  	s6 =	sld [smem:$0x3FB3]  }
0x2c: {  	s7 =	sld [smem:$0x3FB4]  }
0x2d: {  	s3 =	simm.s32 $0x108;
	s8 =	sld [smem:$0x3FB5]  }
0x2e: {  	s3 =	simm.s32 @!p0 $0x1082;
	s9 =	sld [smem:$0x3FB6]  }
0x2f: {  	lr =	sadd.s32 s0, s3;
	s0 =	sld [smem:$0x3FAD]  }
0x30: {  	s3 =	sld [smem:$0x3FB0]  }
0x31: {  	[smem:$0x3FB9] =	sst s10  }
0x32: {  	s10 =	sld [smem:$0x3FB7];
	_ =	sdelay $0x3  }
0x33: {  	p0 =	seq.s32 s10, $0x1;
	s10 =	sld [smem:$0x3FB9];
	_ =	sdelay $0x3  }
0x34: {  	[smem:$0x3FB9] =	sst s10  }
0x35: {  	s10 =	sld [smem:$0x3FB8];
	_ =	sdelay $0x3  }
0x36: {  	p1 =	seq.s32 s10, $0x1;
	s10 =	sld [smem:$0x3FB9];
	_ =	sdelay $0x3  }
0x37: {  	[smem:$0x3FB9] =	sst s10  }
0x38: {  	s10 =	sld [smem:$0x3FBA]  }
0x39: {  	_ = 	snop;
	(pc) =	sbr.ind lr, $3  }
0x3a: {  	_ = 	snop  }
0x3b: {  	_ = 	snop  }
0x3c: {  	p2 =	seq.s32 s10, $0x1;
	s10 =	sld [smem:$0x3FB9]  }
0x3d: {  	_ =	shalt  }
0x3e: {  	_ =	shalt  }
0x3f: {  	_ =	shalt  }
0x40: {  	_ =	shalt  }
0x41: {  	_ =	shalt  }
0x42: {  	_ =	shalt  }
0x43: {  	_ =	shalt  }
0x44: {  	_ =	shalt  }
0x45: {  	_ =	shalt  }
0x46: {  	_ =	shalt  }
0x47: {  	_ =	shalt  }
0x48: {  	_ =	shalt  }
0x49: {  	_ =	shalt  }
0x4a: {  	_ =	shalt  }
0x4b: {  	_ =	shalt  }
0x4c: {  	_ =	shalt  }
0x4d: {  	_ =	shalt  }
0x4e: {  	_ =	shalt  }
0x4f: {  	_ =	shalt  }
0x50: {  	_ =	shalt  }
0x51: {  	_ =	shalt  }
0x52: {  	_ =	shalt  }
0x53: {  	_ =	shalt  }
0x54: {  	_ =	shalt  }
0x55: {  	_ =	shalt  }
0x56: {  	_ =	shalt  }
0x57: {  	_ =	shalt  }
0x58: {  	_ =	shalt  }
0x59: {  	_ =	shalt  }
0x5a: {  	_ =	shalt  }
0x5b: {  	_ =	shalt  }
0x5c: {  	_ =	shalt  }
0x5d: {  	_ =	shalt  }
0x5e: {  	_ =	shalt  }
0x5f: {  	_ =	shalt  }
0x60: {  	_ =	shalt  }
0x61: {  	_ =	shalt  }
0x62: {  	_ =	shalt  }
0x63: {  	_ =	shalt  }
0x64: {  	_ =	shalt  }
0x65: {  	_ =	shalt  }
0x66: {  	_ =	shalt  }
0x67: {  	_ =	shalt  }
0x68: {  	_ =	shalt  }
0x69: {  	_ =	shalt  }
0x6a: {  	_ =	shalt  }
0x6b: {  	_ =	shalt  }
0x6c: {  	_ =	shalt  }
0x6d: {  	_ =	shalt  }
0x6e: {  	_ =	shalt  }
0x6f: {  	_ =	shalt  }
0x70: {  	_ =	shalt  }
0x71: {  	_ =	shalt  }
0x72: {  	_ =	shalt  }
0x73: {  	_ =	shalt  }
0x74: {  	_ =	shalt  }
0x75: {  	_ =	shalt  }
0x76: {  	_ =	shalt  }
0x77: {  	_ =	shalt  }
0x78: {  	_ =	shalt  }
0x79: {  	_ =	shalt  }
0x7a: {  	_ =	shalt  }
0x7b: {  	_ =	shalt  }
0x7c: {  	_ =	shalt  }
0x7d: {  	_ =	shalt  }
0x7e: {  	_ =	shalt  }
0x7f: {  	_ =	shalt  }
0x80: {  	_ =	shalt  }
0x81: {  	_ =	shalt  }
0x82: {  	_ =	shalt  }
0x83: {  	_ =	shalt  }
0x84: {  	_ =	shalt  }
0x85: {  	_ =	shalt  }
0x86: {  	_ =	shalt  }
0x87: {  	_ =	shalt  }
.Lfunc_end0:
.L_simem_size_0:
called_computation.1_lowered:
.L_overlay_start_0:
0x88: {  	s2 =	sld [smem:$0x3FD9]  }
0x89: {  	s3 =	sld [smem:$0x3FFE];
	_ =	sdelay $0x1  }
0x8a: {  	s1 =	srdreg.scid  }
0x8b: {  	s0 =	sand.u32 $0x1, s1  }
0x8c: {  	s17 =	sshll.u32 s0, $0xA;
	s2 =	sadd.s32 s3, s2  }
0x8d: {  	s2 =	sadd.s32 s2, s17  }
0x8e: {  	[smem:$0x3FC5] =	sst s2  }
0x8f: {  	_ = 	snop  }
0x90: {  	s2 =	sld [smem:$0x3FD0];
	(tm) =	ssettm $0x1  }
0x91: {  	s18 =	sld [smem:$0x3FFB];
	_ =	sdelay $0x3  }
0x92: {  	_ =	strace s18  }
0x93: {  	s3 =	sld [smem:$0x3FFC];
	_ =	sdelay $0x3  }
0x94: {  	_ =	strace s3  }
0x95: {  	s3 =	sld [smem:$0x3FFD];
	_ =	sdelay $0x3  }
0x96: {  	_ =	strace s3  }
0x97: {  	_ =	strace $0x8FFFFFFF  }
0x98: {  	s19 =	sld [smem:$0x3FDB];
	_ =	sdelay $0x1  }
0x99: {  	s4 =	simm.s32 $_scs_section_size  }
0x9a: {  	s5 =	simm.s32 $_size__tile_overlayer_lowered;
	s6 =	simm.s32 $_tile_overlayer_lowered  }
0x9b: {  	s22 =	simm.s32 $0x1BFF;
	s21 =	sshll.u32 s6, $0x1;
	s3 =	sadd.s32 s4, s19  }
0x9c: {  	s7 =	simm.s32 $0x0;
	s20 =	sshll.u32 s5, $0x1;
	s5 =	sadd.s32 s21, s3  }
0x9d: {  	[timem:s7], [sflag:s22] =	dma.local [hbm:s5], s20  }
0x9e: {  	_ =	swait.ge [sflag:s22], s20  }
0x9f: {  	s4 =	ssub.s32 $0x0, s20;
	[sflag:s22] =	ssyncset.done $0x0  }
0xa0: {  	[sflag:s22] =	ssyncadd.s32 s4;
	_ =	sdelay $0x1  }
0xa1: {  	s23 =	simm.s32 $0x1B8B  }
0xa2: {  	_ =	swait.ge [sflag:s23], $0x1  }
0xa3: {  	[sflag:s23] =	ssyncset.done $0x0  }
0xa4: {  	s25 =	simm.s32 $0x1B8E;
	s24 =	sld [smem:$0x3FFE];
	[sflag:s23] =	ssyncadd.s32 $0xFFFFFFFF  }
0xa5: {  	s26 =	simm.s32 $execute0_lowered;
	[smem:$0x3FD2] =	sst s25  }
0xa6: {  	s5 =	sshll.u32 s26, $0x1;
	_ =	strace $0x80000049;
	[dreg:$0x1] =	wrdreg $0xFFFFFFFF  }
0xa7: {  	s28 =	simm.s32 $_size_execute0_lowered;
	s3 =	sadd.s32 s3, s5;
	[dreg:$0x0] =	wrdreg $0x0  }
0xa8: {  	s5 =	sshll.u32 s28, $0x1;
	[dreg:$0x2] =	wrdreg s3  }
0xa9: {  	[dreg:$0x3] =	wrdreg s5  }
0xaa: {  	[dreg:$0x4] =	wrdreg $0xC0  }
0xab: {  	_ =	task [dreg:s7], $0x5FFFF  }
0xac: {  	[dreg:$0x1] =	wrdreg $0xFFFFFFFF  }
0xad: {  	[dreg:$0x0] =	wrdreg $0x60  }
0xae: {  	[dreg:$0x2] =	wrdreg s24  }
0xaf: {  	[dreg:$0x3] =	wrdreg s2  }
0xb0: {  	[dreg:$0x4] =	wrdreg $0x90000  }
0xb1: {  	[dreg:$0x5] =	wrdreg $0x130000  }
0xb2: {  	[dreg:$0x6] =	wrdreg $0x9  }
0xb3: {  	_ =	task.clear_ibuf [dreg:s7], $0x7FFFF;
	_ =	strace $0x90000049  }
0xb4: {  	s29 =	simm.s32 $0x9;
	_ =	strace $0x8000004B  }
0xb5: {  	_ =	swait.ge [sflag:s29], $0x1  }
0xb6: {  	[sflag:s29] =	ssyncadd.s32 $0xFFFFFFFF  }
0xb7: {  	_ =	strace $0x9000004B  }
0xb8: {  	_ =	sfence  }
0xb9: {  	s30 =	sld [smem:$0x0];
	_ =	sdelay $0x2  }
0xba: {  	s31 =	sshll.u32 s1, $0xD;
	s1 =	sshrl.u32 s1, $0x2  }
0xbb: {  	s3 =	sand.u32 $0x4000, s31;
	s1 =	sadd.s32 s1, s30  }
0xbc: {  	s0 =	sor.u32 s3, s0;
	s1 =	sshll.u32 s1, $0x11  }
0xbd: {  	s0 =	sor.u32 s1, s0  }
0xbe: {  	s0 =	sadd.s32 $0x8F2B, s0  }
0xbf: {  	[sflag:s0] =	ssyncadd.remote.s32 $0x1  }
0xc0: {  	_ =	sfence.sel $0xFFFF  }
0xc1: {  	[dreg:$0x0] =	wrdreg $0xFFFFFFFF;
	(pc) =	sbr.abs _section_cstart, $3  }
0xc2: {  	[dreg:$0x1] =	wrdreg $0xFFFFFFFF  }
0xc3: {  	_ =	task.clear_ibuf [dreg:s7], $0x2FFFF;
	_ =	strace $0x9FFFFFFF  }
0xc4: {  	(tm) =	ssettm $0x7FFFFFFF  }
0xc5: {  	_ =	shalt  }
tec
execute0_lowered:
.L_overlay_start_1:
0x0: {  	(tag) =	ssettag $0x1  }
0x1: {  	s5 =	rddreg [dreg:$0x0]  }
0x2: {  	s10 =	rddreg [dreg:$0x1]  }
0x3: {  	s2 =	rddreg [dreg:$0x2]  }
0x4: {  	s3 =	rddreg [dreg:$0x3]  }
0x5: {  	s0 =	rddreg [dreg:$0x4];
	s4 =	srdreg.scid  }
0x6: {  	s1 =	stileid.u32;
	s16 =	simm.s32 $0x3;
	s19 =	simm.s32 $0x2800  }
0x7: {  	s20 =	simm.s32 $0x80;
	s21 =	simm.s32 $0x7000;
	s22 =	simm.s32 $0x1  }
0x8: {  	s23 =	simm.s32 $0x2;
	s24 =	simm.s32 $0x4F00;
	s8 =	smul.u32 $0xA000, s1  }
0x9: {  	s25 =	simm.s32 $0x4F80;
	s6 =	sand.u32 $0x1, s4;
	s11 =	smul.u32 $0x28000, s1  }
0xa: {  	s7 =	sshll.u32 s1, $0x1;
	s4 =	simm.s32 $0x0;
	s31 =	smul.u32 $0x9C40, s1  }
0xb: {  	s17 =	sshll.u32 s1, $0x6;
	s7 =	sor.u32 s6, s7;
	s9 =	smul.u32 $0xA0000, s6  }
0xc: {  	[smem:$0x7FF] =	sst s4;
	s6 =	ssub.s32 $0x2, s6;
	s17 =	sor.u32 $0x1C03, s17  }
0xd: {  	s7 =	smul.u32 $0x500, s7;
	_ =	strace $0x8000004A;
	s28 =	sshrl.u32 s6, $0x1  }
0xe: {  	s29 =	sshrl.u32 s11, $0x2;
	s15 =	sshrl.u32 s31, $0x3;
	s18 =	sadd.s32 s31, s3  }
0xf: {  	s9 =	sadd.s32 s8, s9;
	s14 =	ssub.s32 s6, s28;
	s30 =	sadd.s32 s29, s2  }
0x10: {  	s10 =	sadd.s32 s10, s15;
	s15 =	simm.s32 $0x5000;
	s18 =	sshrl.u32 s18, $0x3  }
0x11: {  	s12 =	sadd.s32 s7, s5;
	s26 =	sshrl.u32 s9, $0x3;
	s6 =	sadd.s32 $0x2000, s30  }
0x12: {  	s7 =	sadd.s32 $0x4000, s30;
	s9 =	sadd.s32 $0x8000, s30;
	s14 =	smax.u32 s14, $0x1  }
0x13: {  	s13 =	sadd.s32 s26, s5;
	s5 =	sadd.s32 s8, s2;
	s8 =	sadd.s32 $0x6000, s30  }
0x14: {  	v0 =	vimm.f32 $0.0e+00;
	s11 =	sadd.s32 $0xB000, s12;
	s12 =	sadd.s32 $0x1000, s12;
	s13 =	sadd.s32 $0x15000, s13  }
.LBB2_1:
0x15: {  	s28 =	simm.s32 $0x100;
	s26 =	simm.s32 $0x0  }
.LBB2_2:
0x16: {  	p0 =	sne.s32 s28, $0x7F00;
	[tilespmem:s26+$0x5030] =	vst v0;
	s29 =	smov.u32 s28;
	s28 =	sadd.s32 $0x100, s28  }
.Ltmp0:
0x17: {  	[tilespmem:s26+$0x5020] =	vst v0;
	(pc) =	sbr.rel @p0 .LBB2_2-.Ltmp0, $3  }
0x18: {  	[tilespmem:s26+$0x5000] =	vst v0  }
0x19: {  	[tilespmem:s26+$0x5010] =	vst v0;
	_ =	sdelay $0x1  }
0x1a: {  	s26 =	sshra.s32 s29, $0x2  }
0x1b: {  	[tilespmem:s26+$0x5030] =	vst v0  }
0x1c: {  	[tilespmem:s26+$0x5020] =	vst v0  }
0x1d: {  	[tilespmem:s26+$0x5000] =	vst v0  }
0x1e: {  	[tilespmem:s26+$0x5010] =	vst v0  }
0x1f: {  	[spmem:s5] =	stream.linear.scatter [tilespmem:s15], [sflag:$0x3], $0x2000, $0x38;
	[tilespmem:$0x1D000] =	vst v63  }
0x20: {  	_ =	swait.ge [sflag:s16], $0x2000  }
0x21: {  	[sflag:s16] =	ssyncset.done $0x0  }
0x22: {  	[sflag:s16] =	ssyncadd.s32 $0xFFFFE000  }
0x23: {  	[spmem:s6] =	stream.linear.scatter [tilespmem:s15], [sflag:$0x3], $0x2000, $0x38;
	[tilespmem:$0x1D000] =	vst v63  }
0x24: {  	_ =	swait.ge [sflag:s16], $0x2000  }
0x25: {  	[sflag:s16] =	ssyncset.done $0x0  }
0x26: {  	[sflag:s16] =	ssyncadd.s32 $0xFFFFE000  }
0x27: {  	[spmem:s7] =	stream.linear.scatter [tilespmem:s15], [sflag:$0x3], $0x2000, $0x38;
	[tilespmem:$0x1D000] =	vst v63  }
0x28: {  	_ =	swait.ge [sflag:s16], $0x2000  }
0x29: {  	[sflag:s16] =	ssyncset.done $0x0  }
0x2a: {  	[sflag:s16] =	ssyncadd.s32 $0xFFFFE000  }
0x2b: {  	[spmem:s8] =	stream.linear.scatter [tilespmem:s15], [sflag:$0x3], $0x2000, $0x38;
	[tilespmem:$0x1D000] =	vst v63  }
0x2c: {  	_ =	swait.ge [sflag:s16], $0x2000  }
0x2d: {  	[sflag:s16] =	ssyncset.done $0x0  }
0x2e: {  	[sflag:s16] =	ssyncadd.s32 $0xFFFFE000  }
0x2f: {  	[spmem:s9] =	stream.linear.scatter [tilespmem:s15], [sflag:$0x3], $0x2000, $0x38;
	[tilespmem:$0x1D000] =	vst v63  }
0x30: {  	_ =	swait.ge [sflag:s16], $0x2000  }
0x31: {  	[sflag:s16] =	ssyncset.done $0x0  }
0x32: {  	[sflag:s16] =	ssyncadd.s32 $0xFFFFE000  }
0x33: {  	[spmem:s18], [sflag:s17] =	dma.local [hbm:s10], $0x1388  }
0x34: {  	_ =	swait.ge [sflag:s16], $0x1388  }
0x35: {  	[sflag:s16] =	ssyncset.done $0x0  }
0x36: {  	s31 =	simm.s32 $0x0;
	[sflag:s16] =	ssyncadd.s32 $0xFFFFEC78  }
0x37: {  	[tilespmem:s31], [sflag:$0x3] =	stream.linear.gather [hbm4b:s11+s31], $0x2800, $0x38;
	[tilespmem:$0x1D000] =	vst v63  }
0x38: {  	_ =	swait.ge [sflag:s16], $0x2800  }
0x39: {  	[sflag:s16] =	ssyncset.done $0x0  }
0x3a: {  	[sflag:s16] =	ssyncadd.s32 $0xFFFFD800  }
0x3b: {  	[tilespmem:s19], [sflag:$0x3] =	stream.linear.gather [hbm4b:s12+s31], $0x2800, $0x38;
	[tilespmem:$0x1D000] =	vst v63  }
0x3c: {  	_ =	swait.ge [sflag:s16], $0x2800  }
0x3d: {  	[sflag:s16] =	ssyncset.done $0x0  }
0x3e: {  	[sflag:s16] =	ssyncadd.s32 $0xFFFFD800  }
0x3f: {  	[bflag:$0x0] =	sbarrier.arrive $0xFFFF  }
0x40: {  	[tilespmem:s15], [sflag:$0x1] =	stream.indirect.gather [spmem:s3], $0x40, s31, s20, $0xb8;
	[tilespmem:$0x1D000] =	vst v63  }
0x41: {  	_ = 	snop  }
0x42: {  	[tilespmem:s21], [sflag:$0x2] =	stream.indirect.gather [spmem:s3], $0x40, s20, s20, $0xb8;
	[tilespmem:$0x1D000] =	vst v63  }
0x43: {  	_ =	swait.ge [sflag:s22], $0x2000  }
0x44: {  	[sflag:s22] =	ssyncset.done $0x0  }
0x45: {  	s29 =	simm.s32 $0x2800;
	[sflag:s22] =	ssyncadd.s32 $0xFFFFE000  }
0x46: {  	[spmem:s2] =	stream.indirect.scatter.add.f32 [tilespmem:s15], [sflag:$0x3], $0x40, s29, s20, $0xb8;
	[tilespmem:$0x1D000] =	vst v63  }
0x47: {  	_ =	swait.ge [sflag:s16], $0x2000  }
0x48: {  	[sflag:s16] =	ssyncset.done $0x0  }
0x49: {  	s30 =	simm.s32 $0x100;
	[sflag:s16] =	ssyncadd.s32 $0xFFFFE000  }
0x4a: {  	[tilespmem:s15], [sflag:$0x1] =	stream.indirect.gather [spmem:s3], $0x40, s30, s20, $0xb8;
	[tilespmem:$0x1D000] =	vst v63  }
0x4b: {  	_ =	swait.ge [sflag:s23], $0x2000  }
0x4c: {  	[sflag:s23] =	ssyncset.done $0x0  }
0x4d: {  	s31 =	simm.s32 $0x2880;
	[sflag:s23] =	ssyncadd.s32 $0xFFFFE000  }
0x4e: {  	[spmem:s2] =	stream.indirect.scatter.add.f32 [tilespmem:s21], [sflag:$0x3], $0x40, s31, s20, $0xb8;
	[tilespmem:$0x1D000] =	vst v63  }
0x4f: {  	_ =	swait.ge [sflag:s16], $0x2000  }
0x50: {  	[sflag:s16] =	ssyncset.done $0x0  }
0x51: {  	s26 =	simm.s32 $0x400;
	s28 =	simm.s32 $0x180;
	[sflag:s16] =	ssyncadd.s32 $0xFFFFE000  }
.LBB2_4:
0x52: {  	[tilespmem:s21], [sflag:$0x2] =	stream.indirect.gather [spmem:s3], $0x40, s28, s20, $0xb8;
	[tilespmem:$0x1D000] =	vst v63  }
0x53: {  	s28 =	smov.u32 s26  }
0x54: {  	p0 =	sne.s32 s26, $0x9800;
	s26 =	sadd.s32 $0x400, s26;
	_ =	swait.ge [sflag:s22], $0x2000  }
0x55: {  	s28 =	sshra.s32 s28, $0x2;
	[sflag:s22] =	ssyncset.done $0x0  }
0x56: {  	s29 =	sadd.s32 $0x2800, s28;
	[sflag:s22] =	ssyncadd.s32 $0xFFFFE000  }
0x57: {  	[spmem:s2] =	stream.indirect.scatter.add.f32 [tilespmem:s15], [sflag:$0x3], $0x40, s29, s20, $0xb8;
	[tilespmem:$0x1D000] =	vst v63  }
0x58: {  	_ =	swait.ge [sflag:s16], $0x2000  }
0x59: {  	[sflag:s16] =	ssyncset.done $0x0  }
0x5a: {  	s29 =	sadd.s32 $0x100, s28;
	[sflag:s16] =	ssyncadd.s32 $0xFFFFE000  }
0x5b: {  	[tilespmem:s15], [sflag:$0x1] =	stream.indirect.gather [spmem:s3], $0x40, s29, s20, $0xb8;
	[tilespmem:$0x1D000] =	vst v63  }
0x5c: {  	_ =	swait.ge [sflag:s23], $0x2000  }
0x5d: {  	[sflag:s23] =	ssyncset.done $0x0  }
.Ltmp1:
0x5e: {  	s29 =	sadd.s32 $0x2880, s28;
	[sflag:s23] =	ssyncadd.s32 $0xFFFFE000;
	(pc) =	sbr.rel @p0 .LBB2_4-.Ltmp1, $4  }
0x5f: {  	[spmem:s2] =	stream.indirect.scatter.add.f32 [tilespmem:s21], [sflag:$0x3], $0x40, s29, s20, $0xb8;
	[tilespmem:$0x1D000] =	vst v63  }
0x60: {  	_ =	swait.ge [sflag:s16], $0x2000  }
0x61: {  	[sflag:s16] =	ssyncset.done $0x0  }
0x62: {  	s28 =	sadd.s32 $0x180, s28;
	[sflag:s16] =	ssyncadd.s32 $0xFFFFE000  }
0x63: {  	[tilespmem:s21], [sflag:$0x2] =	stream.indirect.gather [spmem:s3], $0x40, s28, s20, $0xb8;
	[tilespmem:$0x1D000] =	vst v63  }
0x64: {  	_ =	swait.ge [sflag:s22], $0x2000  }
0x65: {  	[sflag:s22] =	ssyncset.done $0x0  }
0x66: {  	[sflag:s22] =	ssyncadd.s32 $0xFFFFE000  }
0x67: {  	[spmem:s2] =	stream.indirect.scatter.add.f32 [tilespmem:s15], [sflag:$0x3], $0x40, s24, s20, $0xb8;
	[tilespmem:$0x1D000] =	vst v63  }
0x68: {  	_ =	swait.ge [sflag:s16], $0x2000  }
0x69: {  	[sflag:s16] =	ssyncset.done $0x0  }
0x6a: {  	[sflag:s16] =	ssyncadd.s32 $0xFFFFE000  }
0x6b: {  	_ =	swait.ge [sflag:s23], $0x2000  }
0x6c: {  	[sflag:s23] =	ssyncset.done $0x0  }
0x6d: {  	[sflag:s23] =	ssyncadd.s32 $0xFFFFE000  }
0x6e: {  	[spmem:s2] =	stream.indirect.scatter.add.f32 [tilespmem:s21], [sflag:$0x3], $0x40, s25, s20, $0xb8;
	[tilespmem:$0x1D000] =	vst v63  }
0x6f: {  	_ =	swait.ge [sflag:s16], $0x2000  }
0x70: {  	s4 =	sadd.s32 $0x1, s4;
	[sflag:s16] =	ssyncset.done $0x0  }
0x71: {  	p0 =	sne.s32 s4, s14;
	[sflag:s16] =	ssyncadd.s32 $0xFFFFE000  }
.Ltmp2:
0x72: {  	s26 =	sshrl.u32 s5, $0x3;
	[bflag:$0x0] =	sbarrier.arrive $0xFFFF;
	(pc) =	sbr.rel @p0 .LBB2_1-.Ltmp2, $4  }
0x73: {  	[hbm:s13], [sflag:s17] =	dma.local [spmem:s26], $0x1400  }
0x74: {  	_ =	swait.ge [sflag:s16], $0x1400  }
0x75: {  	[sflag:s16] =	ssyncset.done $0x0  }
0x76: {  	[sflag:s16] =	ssyncadd.s32 $0xFFFFEC00  }
0x77: {  	_ =	sfence.sel $0x180000  }
0x78: {  	[bflag:$0x0] =	sbarrier.arrive $0xFFFF  }
0x79: {  	p0 =	sne.s32 s1, $0x0;
	_ =	strace $0x9000004A  }
0x7a: {  	s0 =	sadd.s32 @!p0 $0x100000, s0;
	[bflag:$0x2] =	sbarrier.arrive $0xFFFF  }
0x7b: {  	[sflag:s0] =	ssyncadd.tile.s32 @!p0 $0x1;
	_ =	shalt  }
.Lfunc_end2:
_tile_overlayer_lowered:
.L_overlay_start_2:
0x7c: {  	(tag) =	ssettag $0x2  }
0x7d: {  	s0 =	rddreg [dreg:$0x0];
	s2 =	stileid.u32  }
0x7e: {  	s1 =	rddreg [dreg:$0x1];
	p0 =	sne.s32 s2, $0x0  }
0x7f: {  	s3 =	rddreg [dreg:$0x2];
	[bflag:$0x3] =	sbarrier.arrive $0xFFFF;
	s2 =	simm.s32 @!p0 $0x1C03  }
0x80: {  	[timem:s3], [sflag:s2] =	dma.local @!p0 [hbm:s0], s1  }
0x81: {  	s0 =	simm.s32 @!p0 $0x3  }
0x82: {  	_ =	swait.ge @!p0 [sflag:s0], s1  }
0x83: {  	s1 =	ssub.s32 @!p0 $0x0, s1;
	[sflag:s0] =	ssyncset.done @!p0 $0x0  }
0x84: {  	[sflag:s0] =	ssyncadd.s32 @!p0 s1  }
0x85: {  	[bflag:$0x3] =	sbarrier.arrive $0xFFFF  }
0x86: {  	_ =	shalt  }

// kernel: kernel.14.cloned.1.call-start
scs
__scs_entry_jumppad:
0x0: {  	(pc) =	sbr.rel $0x88, $3  }
0x1: {  	(tag) =	ssettag $0x0;
	lr =	simm.s32 $0x1  }
0x2: {  	[smem:$0x3F9E] =	sst lr;
	_ =	strace $0xD0000000  }
0x3: {  	_ = 	snop  }
0x4: {  	_ = 	snop  }
0x5: {  	_ = 	snop  }
0x6: {  	_ = 	snop  }
0x7: {  	_ = 	snop  }
__scs_overlays_trampoline_lowered:
0x8: {  	[smem:$0x3FAD] =	sst s0  }
0x9: {  	[smem:$0x3FAE] =	sst s1  }
0xa: {  	[smem:$0x3FAF] =	sst s2  }
0xb: {  	[smem:$0x3FB0] =	sst s3  }
0xc: {  	[smem:$0x3FB1] =	sst s4  }
0xd: {  	[smem:$0x3FB2] =	sst s5  }
0xe: {  	[smem:$0x3FB3] =	sst s6  }
0xf: {  	[smem:$0x3FB4] =	sst s7  }
0x10: {  	[smem:$0x3FB5] =	sst s8  }
0x11: {  	[smem:$0x3FB6] =	sst s9;
	s0 =	simm.s32 @!p0 $0x0  }
0x12: {  	s1 =	sld [smem:$0x3F9C];
	s0 =	simm.s32 @p0 $0x1  }
0x13: {  	[smem:$0x3FB7] =	sst s0;
	s0 =	simm.s32 @!p1 $0x0  }
0x14: {  	s2 =	sld [smem:$0x3F9B];
	s0 =	simm.s32 @p1 $0x1  }
0x15: {  	[smem:$0x3FB8] =	sst s0;
	s0 =	simm.s32 @!p2 $0x0  }
0x16: {  	s3 =	sld [smem:$0x3FDB];
	s0 =	simm.s32 @p2 $0x1  }
0x17: {  	s4 =	simm.s32 $0x1BF5;
	[smem:$0x3FBA] =	sst s0  }
0x18: {  	s0 =	sld [smem:$0x3F9D];
	_ =	swait.ge [sflag:s4], $0x0  }
0x19: {  	s7 =	sld [smem:$0x3F9E]  }
0x1a: {  	s8 =	sadd.s32 $0xFFFFE003, lr  }
0x1b: {  	s9 =	sadd.s32 $0xFFFFFEF7, lr;
	s5 =	simm.s32 $0xFFFFFFFF;
	p2 =	slt.u32 s8, $0xFFFFF086  }
0x1c: {  	p1 =	slt.u32 s9, $0xF7A;
	s5 =	simm.s32 @!p2 $0x0  }
0x1d: {  	s5 =	simm.s32 @p1 $0x1;
	p0 =	seq.s32 s7, s2  }
0x1e: {  	s7 =	smul.u32 @!p0 $0xF7A, s2;
	p2 =	seq.s32 @!p0 s5, $0x0  }
0x1f: {  	s9 =	smul.u32 $0xF7A, s1;
	s8 =	simm.s32 @!p0 $0x1BF5;
	p2 =	por !p2, p0  }
0x20: {  	[sflag:s8] =	ssyncset.s32 @!p0 $0xFFFFF086;
	s6 =	sadd.s32 @!p0 s3, s7;
	s7 =	simm.s32 @!p0 $0x108  }
0x21: {  	s3 =	sadd.s32 s3, s9;
	s6 =	sadd.s32 @!p0 $0x88, s6;
	s7 =	simm.s32 @p2 $0x1082  }
0x22: {  	[simem:s7], [sflag:s8] =	dma.local @!p0 [hbm:s6], $0xF7A  }
0x23: {  	s9 =	sor.u32 $0xD0000000, s2;
	s6 =	simm.s32 $0x108;
	_ =	swait.ge @!p0 [sflag:s8], $0x0  }
0x24: {  	s3 =	sadd.s32 $0x88, s3;
	s6 =	simm.s32 @!p1 $0x1082;
	[sflag:s4] =	ssyncset.s32 $0xFFFFF086  }
0x25: {  	[simem:s6], [sflag:s4] =	dma.local [hbm:s3], $0xF7A  }
0x26: {  	[smem:$0x3F9E] =	sst s1;
	(tag) =	ssettag s2;
	_ =	strace s9  }
0x27: {  	s1 =	sld [smem:$0x3FAE]  }
0x28: {  	s2 =	sld [smem:$0x3FAF]  }
0x29: {  	s4 =	sld [smem:$0x3FB1]  }
0x2a: {  	p0 =	seq.s32 s5, $0x0;
	s5 =	sld [smem:$0x3FB2]  }
0x2b: {  	s6 =	sld [smem:$0x3FB3]  }
0x2c: {  	s7 =	sld [smem:$0x3FB4]  }
0x2d: {  	s3 =	simm.s32 $0x108;
	s8 =	sld [smem:$0x3FB5]  }
0x2e: {  	s3 =	simm.s32 @!p0 $0x1082;
	s9 =	sld [smem:$0x3FB6]  }
0x2f: {  	lr =	sadd.s32 s0, s3;
	s0 =	sld [smem:$0x3FAD]  }
0x30: {  	s3 =	sld [smem:$0x3FB0]  }
0x31: {  	[smem:$0x3FB9] =	sst s10  }
0x32: {  	s10 =	sld [smem:$0x3FB7];
	_ =	sdelay $0x3  }
0x33: {  	p0 =	seq.s32 s10, $0x1;
	s10 =	sld [smem:$0x3FB9];
	_ =	sdelay $0x3  }
0x34: {  	[smem:$0x3FB9] =	sst s10  }
0x35: {  	s10 =	sld [smem:$0x3FB8];
	_ =	sdelay $0x3  }
0x36: {  	p1 =	seq.s32 s10, $0x1;
	s10 =	sld [smem:$0x3FB9];
	_ =	sdelay $0x3  }
0x37: {  	[smem:$0x3FB9] =	sst s10  }
0x38: {  	s10 =	sld [smem:$0x3FBA]  }
0x39: {  	_ = 	snop;
	(pc) =	sbr.ind lr, $3  }
0x3a: {  	_ = 	snop  }
0x3b: {  	_ = 	snop  }
0x3c: {  	p2 =	seq.s32 s10, $0x1;
	s10 =	sld [smem:$0x3FB9]  }
0x3d: {  	_ =	shalt  }
0x3e: {  	_ =	shalt  }
0x3f: {  	_ =	shalt  }
0x40: {  	_ =	shalt  }
0x41: {  	_ =	shalt  }
0x42: {  	_ =	shalt  }
0x43: {  	_ =	shalt  }
0x44: {  	_ =	shalt  }
0x45: {  	_ =	shalt  }
0x46: {  	_ =	shalt  }
0x47: {  	_ =	shalt  }
0x48: {  	_ =	shalt  }
0x49: {  	_ =	shalt  }
0x4a: {  	_ =	shalt  }
0x4b: {  	_ =	shalt  }
0x4c: {  	_ =	shalt  }
0x4d: {  	_ =	shalt  }
0x4e: {  	_ =	shalt  }
0x4f: {  	_ =	shalt  }
0x50: {  	_ =	shalt  }
0x51: {  	_ =	shalt  }
0x52: {  	_ =	shalt  }
0x53: {  	_ =	shalt  }
0x54: {  	_ =	shalt  }
0x55: {  	_ =	shalt  }
0x56: {  	_ =	shalt  }
0x57: {  	_ =	shalt  }
0x58: {  	_ =	shalt  }
0x59: {  	_ =	shalt  }
0x5a: {  	_ =	shalt  }
0x5b: {  	_ =	shalt  }
0x5c: {  	_ =	shalt  }
0x5d: {  	_ =	shalt  }
0x5e: {  	_ =	shalt  }
0x5f: {  	_ =	shalt  }
0x60: {  	_ =	shalt  }
0x61: {  	_ =	shalt  }
0x62: {  	_ =	shalt  }
0x63: {  	_ =	shalt  }
0x64: {  	_ =	shalt  }
0x65: {  	_ =	shalt  }
0x66: {  	_ =	shalt  }
0x67: {  	_ =	shalt  }
0x68: {  	_ =	shalt  }
0x69: {  	_ =	shalt  }
0x6a: {  	_ =	shalt  }
0x6b: {  	_ =	shalt  }
0x6c: {  	_ =	shalt  }
0x6d: {  	_ =	shalt  }
0x6e: {  	_ =	shalt  }
0x6f: {  	_ =	shalt  }
0x70: {  	_ =	shalt  }
0x71: {  	_ =	shalt  }
0x72: {  	_ =	shalt  }
0x73: {  	_ =	shalt  }
0x74: {  	_ =	shalt  }
0x75: {  	_ =	shalt  }
0x76: {  	_ =	shalt  }
0x77: {  	_ =	shalt  }
0x78: {  	_ =	shalt  }
0x79: {  	_ =	shalt  }
0x7a: {  	_ =	shalt  }
0x7b: {  	_ =	shalt  }
0x7c: {  	_ =	shalt  }
0x7d: {  	_ =	shalt  }
0x7e: {  	_ =	shalt  }
0x7f: {  	_ =	shalt  }
0x80: {  	_ =	shalt  }
0x81: {  	_ =	shalt  }
0x82: {  	_ =	shalt  }
0x83: {  	_ =	shalt  }
0x84: {  	_ =	shalt  }
0x85: {  	_ =	shalt  }
0x86: {  	_ =	shalt  }
0x87: {  	_ =	shalt  }
.Lfunc_end0:
.L_simem_size_0:
called_computation.2_lowered:
.L_overlay_start_0:
0x88: {  	s2 =	sld [smem:$0x3FD9]  }
0x89: {  	s3 =	sld [smem:$0x3FFE];
	_ =	sdelay $0x1  }
0x8a: {  	s1 =	srdreg.scid  }
0x8b: {  	s0 =	sand.u32 $0x1, s1  }
0x8c: {  	s17 =	sshll.u32 s0, $0xA;
	s2 =	sadd.s32 s3, s2  }
0x8d: {  	s2 =	sadd.s32 s2, s17  }
0x8e: {  	[smem:$0x3FC5] =	sst s2  }
0x8f: {  	_ = 	snop  }
0x90: {  	s2 =	sld [smem:$0x3FD0];
	(tm) =	ssettm $0x1  }
0x91: {  	s18 =	sld [smem:$0x3FFB];
	_ =	sdelay $0x3  }
0x92: {  	_ =	strace s18  }
0x93: {  	s3 =	sld [smem:$0x3FFC];
	_ =	sdelay $0x3  }
0x94: {  	_ =	strace s3  }
0x95: {  	s3 =	sld [smem:$0x3FFD];
	_ =	sdelay $0x3  }
0x96: {  	_ =	strace s3  }
0x97: {  	_ =	strace $0x8FFFFFFF  }
0x98: {  	s19 =	sld [smem:$0x3FDB];
	_ =	sdelay $0x1  }
0x99: {  	s4 =	simm.s32 $_scs_section_size  }
0x9a: {  	s5 =	simm.s32 $_size__tile_overlayer_lowered;
	s6 =	simm.s32 $_tile_overlayer_lowered  }
0x9b: {  	s22 =	simm.s32 $0x1BFF;
	s21 =	sshll.u32 s6, $0x1;
	s3 =	sadd.s32 s4, s19  }
0x9c: {  	s7 =	simm.s32 $0x0;
	s20 =	sshll.u32 s5, $0x1;
	s5 =	sadd.s32 s21, s3  }
0x9d: {  	[timem:s7], [sflag:s22] =	dma.local [hbm:s5], s20  }
0x9e: {  	_ =	swait.ge [sflag:s22], s20  }
0x9f: {  	s4 =	ssub.s32 $0x0, s20;
	[sflag:s22] =	ssyncset.done $0x0  }
0xa0: {  	[sflag:s22] =	ssyncadd.s32 s4;
	_ =	sdelay $0x1  }
0xa1: {  	s23 =	simm.s32 $0x1B8B  }
0xa2: {  	_ =	swait.ge [sflag:s23], $0x1  }
0xa3: {  	[sflag:s23] =	ssyncset.done $0x0  }
0xa4: {  	s25 =	simm.s32 $0x1B8E;
	s24 =	sld [smem:$0x3FFE];
	[sflag:s23] =	ssyncadd.s32 $0xFFFFFFFF  }
0xa5: {  	s26 =	simm.s32 $execute0_lowered;
	[smem:$0x3FD2] =	sst s25  }
0xa6: {  	s5 =	sshll.u32 s26, $0x1;
	_ =	strace $0x8000004C;
	[dreg:$0x1] =	wrdreg $0xFFFFFFFF  }
0xa7: {  	s28 =	simm.s32 $_size_execute0_lowered;
	s3 =	sadd.s32 s3, s5;
	[dreg:$0x0] =	wrdreg $0x0  }
0xa8: {  	s5 =	sshll.u32 s28, $0x1;
	[dreg:$0x2] =	wrdreg s3  }
0xa9: {  	[dreg:$0x3] =	wrdreg s5  }
0xaa: {  	[dreg:$0x4] =	wrdreg $0xC0  }
0xab: {  	_ =	task [dreg:s7], $0x5FFFF  }
0xac: {  	[dreg:$0x1] =	wrdreg $0xFFFFFFFF  }
0xad: {  	[dreg:$0x0] =	wrdreg $0x60  }
0xae: {  	[dreg:$0x2] =	wrdreg s24  }
0xaf: {  	[dreg:$0x3] =	wrdreg s2  }
0xb0: {  	[dreg:$0x4] =	wrdreg $0x90000  }
0xb1: {  	[dreg:$0x5] =	wrdreg $0x130000  }
0xb2: {  	[dreg:$0x6] =	wrdreg $0x9  }
0xb3: {  	_ =	task.clear_ibuf [dreg:s7], $0x7FFFF;
	_ =	strace $0x9000004C  }
0xb4: {  	s29 =	simm.s32 $0x9;
	_ =	strace $0x8000004E  }
0xb5: {  	_ =	swait.ge [sflag:s29], $0x1  }
0xb6: {  	[sflag:s29] =	ssyncadd.s32 $0xFFFFFFFF  }
0xb7: {  	_ =	strace $0x9000004E  }
0xb8: {  	_ =	sfence  }
0xb9: {  	s30 =	sld [smem:$0x0];
	_ =	sdelay $0x2  }
0xba: {  	s31 =	sshll.u32 s1, $0xD;
	s1 =	sshrl.u32 s1, $0x2  }
0xbb: {  	s3 =	sand.u32 $0x4000, s31;
	s1 =	sadd.s32 s1, s30  }
0xbc: {  	s0 =	sor.u32 s3, s0;
	s1 =	sshll.u32 s1, $0x11  }
0xbd: {  	s0 =	sor.u32 s1, s0  }
0xbe: {  	s0 =	sadd.s32 $0x8F2B, s0  }
0xbf: {  	[sflag:s0] =	ssyncadd.remote.s32 $0x1  }
0xc0: {  	_ =	sfence.sel $0xFFFF  }
0xc1: {  	[dreg:$0x0] =	wrdreg $0xFFFFFFFF;
	(pc) =	sbr.abs _section_cstart, $3  }
0xc2: {  	[dreg:$0x1] =	wrdreg $0xFFFFFFFF  }
0xc3: {  	_ =	task.clear_ibuf [dreg:s7], $0x2FFFF;
	_ =	strace $0x9FFFFFFF  }
0xc4: {  	(tm) =	ssettm $0x7FFFFFFF  }
0xc5: {  	_ =	shalt  }
tec
execute0_lowered:
.L_overlay_start_1:
0x0: {  	(tag) =	ssettag $0x1  }
0x1: {  	s5 =	rddreg [dreg:$0x0]  }
0x2: {  	s10 =	rddreg [dreg:$0x1]  }
0x3: {  	s2 =	rddreg [dreg:$0x2]  }
0x4: {  	s3 =	rddreg [dreg:$0x3]  }
0x5: {  	s0 =	rddreg [dreg:$0x4];
	s4 =	srdreg.scid  }
0x6: {  	s1 =	stileid.u32;
	s16 =	simm.s32 $0x3;
	s19 =	simm.s32 $0x2800  }
0x7: {  	s20 =	simm.s32 $0x80;
	s21 =	simm.s32 $0x7000;
	s22 =	simm.s32 $0x1  }
0x8: {  	s23 =	simm.s32 $0x2;
	s24 =	simm.s32 $0x4F00;
	s8 =	smul.u32 $0xA000, s1  }
0x9: {  	s25 =	simm.s32 $0x4F80;
	s6 =	sand.u32 $0x1, s4;
	s11 =	smul.u32 $0x28000, s1  }
0xa: {  	s7 =	sshll.u32 s1, $0x1;
	s4 =	simm.s32 $0x0;
	s31 =	smul.u32 $0x9C40, s1  }
0xb: {  	s17 =	sshll.u32 s1, $0x6;
	s7 =	sor.u32 s6, s7;
	s9 =	smul.u32 $0xA0000, s6  }
0xc: {  	[smem:$0x7FF] =	sst s4;
	s6 =	ssub.s32 $0x2, s6;
	s17 =	sor.u32 $0x1C03, s17  }
0xd: {  	s7 =	smul.u32 $0x500, s7;
	_ =	strace $0x8000004D;
	s28 =	sshrl.u32 s6, $0x1  }
0xe: {  	s29 =	sshrl.u32 s11, $0x2;
	s15 =	sshrl.u32 s31, $0x3;
	s18 =	sadd.s32 s31, s3  }
0xf: {  	s9 =	sadd.s32 s8, s9;
	s14 =	ssub.s32 s6, s28;
	s30 =	sadd.s32 s29, s2  }
0x10: {  	s10 =	sadd.s32 s10, s15;
	s15 =	simm.s32 $0x5000;
	s18 =	sshrl.u32 s18, $0x3  }
0x11: {  	s12 =	sadd.s32 s7, s5;
	s26 =	sshrl.u32 s9, $0x3;
	s6 =	sadd.s32 $0x2000, s30  }
0x12: {  	s7 =	sadd.s32 $0x4000, s30;
	s9 =	sadd.s32 $0x8000, s30;
	s14 =	smax.u32 s14, $0x1  }
0x13: {  	s13 =	sadd.s32 s26, s5;
	s5 =	sadd.s32 s8, s2;
	s8 =	sadd.s32 $0x6000, s30  }
0x14: {  	v0 =	vimm.f32 $0.0e+00;
	s11 =	sadd.s32 $0xB000, s12;
	s12 =	sadd.s32 $0x1000, s12;
	s13 =	sadd.s32 $0x15000, s13  }
.LBB2_1:
0x15: {  	s28 =	simm.s32 $0x100;
	s26 =	simm.s32 $0x0  }
.LBB2_2:
0x16: {  	p0 =	sne.s32 s28, $0x7F00;
	[tilespmem:s26+$0x5030] =	vst v0;
	s29 =	smov.u32 s28;
	s28 =	sadd.s32 $0x100, s28  }
.Ltmp0:
0x17: {  	[tilespmem:s26+$0x5020] =	vst v0;
	(pc) =	sbr.rel @p0 .LBB2_2-.Ltmp0, $3  }
0x18: {  	[tilespmem:s26+$0x5000] =	vst v0  }
0x19: {  	[tilespmem:s26+$0x5010] =	vst v0;
	_ =	sdelay $0x1  }
0x1a: {  	s26 =	sshra.s32 s29, $0x2  }
0x1b: {  	[tilespmem:s26+$0x5030] =	vst v0  }
0x1c: {  	[tilespmem:s26+$0x5020] =	vst v0  }
0x1d: {  	[tilespmem:s26+$0x5000] =	vst v0  }
0x1e: {  	[tilespmem:s26+$0x5010] =	vst v0  }
0x1f: {  	[spmem:s5] =	stream.linear.scatter [tilespmem:s15], [sflag:$0x3], $0x2000, $0x38;
	[tilespmem:$0x1D000] =	vst v63  }
0x20: {  	_ =	swait.ge [sflag:s16], $0x2000  }
0x21: {  	[sflag:s16] =	ssyncset.done $0x0  }
0x22: {  	[sflag:s16] =	ssyncadd.s32 $0xFFFFE000  }
0x23: {  	[spmem:s6] =	stream.linear.scatter [tilespmem:s15], [sflag:$0x3], $0x2000, $0x38;
	[tilespmem:$0x1D000] =	vst v63  }
0x24: {  	_ =	swait.ge [sflag:s16], $0x2000  }
0x25: {  	[sflag:s16] =	ssyncset.done $0x0  }
0x26: {  	[sflag:s16] =	ssyncadd.s32 $0xFFFFE000  }
0x27: {  	[spmem:s7] =	stream.linear.scatter [tilespmem:s15], [sflag:$0x3], $0x2000, $0x38;
	[tilespmem:$0x1D000] =	vst v63  }
0x28: {  	_ =	swait.ge [sflag:s16], $0x2000  }
0x29: {  	[sflag:s16] =	ssyncset.done $0x0  }
0x2a: {  	[sflag:s16] =	ssyncadd.s32 $0xFFFFE000  }
0x2b: {  	[spmem:s8] =	stream.linear.scatter [tilespmem:s15], [sflag:$0x3], $0x2000, $0x38;
	[tilespmem:$0x1D000] =	vst v63  }
0x2c: {  	_ =	swait.ge [sflag:s16], $0x2000  }
0x2d: {  	[sflag:s16] =	ssyncset.done $0x0  }
0x2e: {  	[sflag:s16] =	ssyncadd.s32 $0xFFFFE000  }
0x2f: {  	[spmem:s9] =	stream.linear.scatter [tilespmem:s15], [sflag:$0x3], $0x2000, $0x38;
	[tilespmem:$0x1D000] =	vst v63  }
0x30: {  	_ =	swait.ge [sflag:s16], $0x2000  }
0x31: {  	[sflag:s16] =	ssyncset.done $0x0  }
0x32: {  	[sflag:s16] =	ssyncadd.s32 $0xFFFFE000  }
0x33: {  	[spmem:s18], [sflag:s17] =	dma.local [hbm:s10], $0x1388  }
0x34: {  	_ =	swait.ge [sflag:s16], $0x1388  }
0x35: {  	[sflag:s16] =	ssyncset.done $0x0  }
0x36: {  	s31 =	simm.s32 $0x0;
	[sflag:s16] =	ssyncadd.s32 $0xFFFFEC78  }
0x37: {  	[tilespmem:s31], [sflag:$0x3] =	stream.linear.gather [hbm4b:s11+s31], $0x2800, $0x38;
	[tilespmem:$0x1D000] =	vst v63  }
0x38: {  	_ =	swait.ge [sflag:s16], $0x2800  }
0x39: {  	[sflag:s16] =	ssyncset.done $0x0  }
0x3a: {  	[sflag:s16] =	ssyncadd.s32 $0xFFFFD800  }
0x3b: {  	[tilespmem:s19], [sflag:$0x3] =	stream.linear.gather [hbm4b:s12+s31], $0x2800, $0x38;
	[tilespmem:$0x1D000] =	vst v63  }
0x3c: {  	_ =	swait.ge [sflag:s16], $0x2800  }
0x3d: {  	[sflag:s16] =	ssyncset.done $0x0  }
0x3e: {  	[sflag:s16] =	ssyncadd.s32 $0xFFFFD800  }
0x3f: {  	[bflag:$0x0] =	sbarrier.arrive $0xFFFF  }
0x40: {  	[tilespmem:s15], [sflag:$0x1] =	stream.indirect.gather [spmem:s3], $0x40, s31, s20, $0xb8;
	[tilespmem:$0x1D000] =	vst v63  }
0x41: {  	_ = 	snop  }
0x42: {  	[tilespmem:s21], [sflag:$0x2] =	stream.indirect.gather [spmem:s3], $0x40, s20, s20, $0xb8;
	[tilespmem:$0x1D000] =	vst v63  }
0x43: {  	_ =	swait.ge [sflag:s22], $0x2000  }
0x44: {  	[sflag:s22] =	ssyncset.done $0x0  }
0x45: {  	s29 =	simm.s32 $0x2800;
	[sflag:s22] =	ssyncadd.s32 $0xFFFFE000  }
0x46: {  	[spmem:s2] =	stream.indirect.scatter.add.f32 [tilespmem:s15], [sflag:$0x3], $0x40, s29, s20, $0xb8;
	[tilespmem:$0x1D000] =	vst v63  }
0x47: {  	_ =	swait.ge [sflag:s16], $0x2000  }
0x48: {  	[sflag:s16] =	ssyncset.done $0x0  }
0x49: {  	s30 =	simm.s32 $0x100;
	[sflag:s16] =	ssyncadd.s32 $0xFFFFE000  }
0x4a: {  	[tilespmem:s15], [sflag:$0x1] =	stream.indirect.gather [spmem:s3], $0x40, s30, s20, $0xb8;
	[tilespmem:$0x1D000] =	vst v63  }
0x4b: {  	_ =	swait.ge [sflag:s23], $0x2000  }
0x4c: {  	[sflag:s23] =	ssyncset.done $0x0  }
0x4d: {  	s31 =	simm.s32 $0x2880;
	[sflag:s23] =	ssyncadd.s32 $0xFFFFE000  }
0x4e: {  	[spmem:s2] =	stream.indirect.scatter.add.f32 [tilespmem:s21], [sflag:$0x3], $0x40, s31, s20, $0xb8;
	[tilespmem:$0x1D000] =	vst v63  }
0x4f: {  	_ =	swait.ge [sflag:s16], $0x2000  }
0x50: {  	[sflag:s16] =	ssyncset.done $0x0  }
0x51: {  	s26 =	simm.s32 $0x400;
	s28 =	simm.s32 $0x180;
	[sflag:s16] =	ssyncadd.s32 $0xFFFFE000  }
.LBB2_4:
0x52: {  	[tilespmem:s21], [sflag:$0x2] =	stream.indirect.gather [spmem:s3], $0x40, s28, s20, $0xb8;
	[tilespmem:$0x1D000] =	vst v63  }
0x53: {  	s28 =	smov.u32 s26  }
0x54: {  	p0 =	sne.s32 s26, $0x9800;
	s26 =	sadd.s32 $0x400, s26;
	_ =	swait.ge [sflag:s22], $0x2000  }
0x55: {  	s28 =	sshra.s32 s28, $0x2;
	[sflag:s22] =	ssyncset.done $0x0  }
0x56: {  	s29 =	sadd.s32 $0x2800, s28;
	[sflag:s22] =	ssyncadd.s32 $0xFFFFE000  }
0x57: {  	[spmem:s2] =	stream.indirect.scatter.add.f32 [tilespmem:s15], [sflag:$0x3], $0x40, s29, s20, $0xb8;
	[tilespmem:$0x1D000] =	vst v63  }
0x58: {  	_ =	swait.ge [sflag:s16], $0x2000  }
0x59: {  	[sflag:s16] =	ssyncset.done $0x0  }
0x5a: {  	s29 =	sadd.s32 $0x100, s28;
	[sflag:s16] =	ssyncadd.s32 $0xFFFFE000  }
0x5b: {  	[tilespmem:s15], [sflag:$0x1] =	stream.indirect.gather [spmem:s3], $0x40, s29, s20, $0xb8;
	[tilespmem:$0x1D000] =	vst v63  }
0x5c: {  	_ =	swait.ge [sflag:s23], $0x2000  }
0x5d: {  	[sflag:s23] =	ssyncset.done $0x0  }
.Ltmp1:
0x5e: {  	s29 =	sadd.s32 $0x2880, s28;
	[sflag:s23] =	ssyncadd.s32 $0xFFFFE000;
	(pc) =	sbr.rel @p0 .LBB2_4-.Ltmp1, $4  }
0x5f: {  	[spmem:s2] =	stream.indirect.scatter.add.f32 [tilespmem:s21], [sflag:$0x3], $0x40, s29, s20, $0xb8;
	[tilespmem:$0x1D000] =	vst v63  }
0x60: {  	_ =	swait.ge [sflag:s16], $0x2000  }
0x61: {  	[sflag:s16] =	ssyncset.done $0x0  }
0x62: {  	s28 =	sadd.s32 $0x180, s28;
	[sflag:s16] =	ssyncadd.s32 $0xFFFFE000  }
0x63: {  	[tilespmem:s21], [sflag:$0x2] =	stream.indirect.gather [spmem:s3], $0x40, s28, s20, $0xb8;
	[tilespmem:$0x1D000] =	vst v63  }
0x64: {  	_ =	swait.ge [sflag:s22], $0x2000  }
0x65: {  	[sflag:s22] =	ssyncset.done $0x0  }
0x66: {  	[sflag:s22] =	ssyncadd.s32 $0xFFFFE000  }
0x67: {  	[spmem:s2] =	stream.indirect.scatter.add.f32 [tilespmem:s15], [sflag:$0x3], $0x40, s24, s20, $0xb8;
	[tilespmem:$0x1D000] =	vst v63  }
0x68: {  	_ =	swait.ge [sflag:s16], $0x2000  }
0x69: {  	[sflag:s16] =	ssyncset.done $0x0  }
0x6a: {  	[sflag:s16] =	ssyncadd.s32 $0xFFFFE000  }
0x6b: {  	_ =	swait.ge [sflag:s23], $0x2000  }
0x6c: {  	[sflag:s23] =	ssyncset.done $0x0  }
0x6d: {  	[sflag:s23] =	ssyncadd.s32 $0xFFFFE000  }
0x6e: {  	[spmem:s2] =	stream.indirect.scatter.add.f32 [tilespmem:s21], [sflag:$0x3], $0x40, s25, s20, $0xb8;
	[tilespmem:$0x1D000] =	vst v63  }
0x6f: {  	_ =	swait.ge [sflag:s16], $0x2000  }
0x70: {  	s4 =	sadd.s32 $0x1, s4;
	[sflag:s16] =	ssyncset.done $0x0  }
0x71: {  	p0 =	sne.s32 s4, s14;
	[sflag:s16] =	ssyncadd.s32 $0xFFFFE000  }
.Ltmp2:
0x72: {  	s26 =	sshrl.u32 s5, $0x3;
	[bflag:$0x0] =	sbarrier.arrive $0xFFFF;
	(pc) =	sbr.rel @p0 .LBB2_1-.Ltmp2, $4  }
0x73: {  	[hbm:s13], [sflag:s17] =	dma.local [spmem:s26], $0x1400  }
0x74: {  	_ =	swait.ge [sflag:s16], $0x1400  }
0x75: {  	[sflag:s16] =	ssyncset.done $0x0  }
0x76: {  	[sflag:s16] =	ssyncadd.s32 $0xFFFFEC00  }
0x77: {  	_ =	sfence.sel $0x180000  }
0x78: {  	[bflag:$0x0] =	sbarrier.arrive $0xFFFF  }
0x79: {  	p0 =	sne.s32 s1, $0x0;
	_ =	strace $0x9000004D  }
0x7a: {  	s0 =	sadd.s32 @!p0 $0x100000, s0;
	[bflag:$0x2] =	sbarrier.arrive $0xFFFF  }
0x7b: {  	[sflag:s0] =	ssyncadd.tile.s32 @!p0 $0x1;
	_ =	shalt  }
.Lfunc_end2:
_tile_overlayer_lowered:
.L_overlay_start_2:
0x7c: {  	(tag) =	ssettag $0x2  }
0x7d: {  	s0 =	rddreg [dreg:$0x0];
	s2 =	stileid.u32  }
0x7e: {  	s1 =	rddreg [dreg:$0x1];
	p0 =	sne.s32 s2, $0x0  }
0x7f: {  	s3 =	rddreg [dreg:$0x2];
	[bflag:$0x3] =	sbarrier.arrive $0xFFFF;
	s2 =	simm.s32 @!p0 $0x1C03  }
0x80: {  	[timem:s3], [sflag:s2] =	dma.local @!p0 [hbm:s0], s1  }
0x81: {  	s0 =	simm.s32 @!p0 $0x3  }
0x82: {  	_ =	swait.ge @!p0 [sflag:s0], s1  }
0x83: {  	s1 =	ssub.s32 @!p0 $0x0, s1;
	[sflag:s0] =	ssyncset.done @!p0 $0x0  }
0x84: {  	[sflag:s0] =	ssyncadd.s32 @!p0 s1  }
0x85: {  	[bflag:$0x3] =	sbarrier.arrive $0xFFFF  }
0x86: {  	_ =	shalt  }

// kernel: kernel.8.cloned.1.call-start
scs
__scs_entry_jumppad:
0x0: {  	(pc) =	sbr.rel $0x88, $3  }
0x1: {  	(tag) =	ssettag $0x0;
	lr =	simm.s32 $0x1  }
0x2: {  	[smem:$0x3F9E] =	sst lr;
	_ =	strace $0xD0000000  }
0x3: {  	_ = 	snop  }
0x4: {  	_ = 	snop  }
0x5: {  	_ = 	snop  }
0x6: {  	_ = 	snop  }
0x7: {  	_ = 	snop  }
__scs_overlays_trampoline_lowered:
0x8: {  	[smem:$0x3FAD] =	sst s0  }
0x9: {  	[smem:$0x3FAE] =	sst s1  }
0xa: {  	[smem:$0x3FAF] =	sst s2  }
0xb: {  	[smem:$0x3FB0] =	sst s3  }
0xc: {  	[smem:$0x3FB1] =	sst s4  }
0xd: {  	[smem:$0x3FB2] =	sst s5  }
0xe: {  	[smem:$0x3FB3] =	sst s6  }
0xf: {  	[smem:$0x3FB4] =	sst s7  }
0x10: {  	[smem:$0x3FB5] =	sst s8  }
0x11: {  	[smem:$0x3FB6] =	sst s9;
	s0 =	simm.s32 @!p0 $0x0  }
0x12: {  	s1 =	sld [smem:$0x3F9C];
	s0 =	simm.s32 @p0 $0x1  }
0x13: {  	[smem:$0x3FB7] =	sst s0;
	s0 =	simm.s32 @!p1 $0x0  }
0x14: {  	s2 =	sld [smem:$0x3F9B];
	s0 =	simm.s32 @p1 $0x1  }
0x15: {  	[smem:$0x3FB8] =	sst s0;
	s0 =	simm.s32 @!p2 $0x0  }
0x16: {  	s3 =	sld [smem:$0x3FDB];
	s0 =	simm.s32 @p2 $0x1  }
0x17: {  	s4 =	simm.s32 $0x1BF5;
	[smem:$0x3FBA] =	sst s0  }
0x18: {  	s0 =	sld [smem:$0x3F9D];
	_ =	swait.ge [sflag:s4], $0x0  }
0x19: {  	s7 =	sld [smem:$0x3F9E]  }
0x1a: {  	s8 =	sadd.s32 $0xFFFFE003, lr  }
0x1b: {  	s9 =	sadd.s32 $0xFFFFFEF7, lr;
	s5 =	simm.s32 $0xFFFFFFFF;
	p2 =	slt.u32 s8, $0xFFFFF086  }
0x1c: {  	p1 =	slt.u32 s9, $0xF7A;
	s5 =	simm.s32 @!p2 $0x0  }
0x1d: {  	s5 =	simm.s32 @p1 $0x1;
	p0 =	seq.s32 s7, s2  }
0x1e: {  	s7 =	smul.u32 @!p0 $0xF7A, s2;
	p2 =	seq.s32 @!p0 s5, $0x0  }
0x1f: {  	s9 =	smul.u32 $0xF7A, s1;
	s8 =	simm.s32 @!p0 $0x1BF5;
	p2 =	por !p2, p0  }
0x20: {  	[sflag:s8] =	ssyncset.s32 @!p0 $0xFFFFF086;
	s6 =	sadd.s32 @!p0 s3, s7;
	s7 =	simm.s32 @!p0 $0x108  }
0x21: {  	s3 =	sadd.s32 s3, s9;
	s6 =	sadd.s32 @!p0 $0x88, s6;
	s7 =	simm.s32 @p2 $0x1082  }
0x22: {  	[simem:s7], [sflag:s8] =	dma.local @!p0 [hbm:s6], $0xF7A  }
0x23: {  	s9 =	sor.u32 $0xD0000000, s2;
	s6 =	simm.s32 $0x108;
	_ =	swait.ge @!p0 [sflag:s8], $0x0  }
0x24: {  	s3 =	sadd.s32 $0x88, s3;
	s6 =	simm.s32 @!p1 $0x1082;
	[sflag:s4] =	ssyncset.s32 $0xFFFFF086  }
0x25: {  	[simem:s6], [sflag:s4] =	dma.local [hbm:s3], $0xF7A  }
0x26: {  	[smem:$0x3F9E] =	sst s1;
	(tag) =	ssettag s2;
	_ =	strace s9  }
0x27: {  	s1 =	sld [smem:$0x3FAE]  }
0x28: {  	s2 =	sld [smem:$0x3FAF]  }
0x29: {  	s4 =	sld [smem:$0x3FB1]  }
0x2a: {  	p0 =	seq.s32 s5, $0x0;
	s5 =	sld [smem:$0x3FB2]  }
0x2b: {  	s6 =	sld [smem:$0x3FB3]  }
0x2c: {  	s7 =	sld [smem:$0x3FB4]  }
0x2d: {  	s3 =	simm.s32 $0x108;
	s8 =	sld [smem:$0x3FB5]  }
0x2e: {  	s3 =	simm.s32 @!p0 $0x1082;
	s9 =	sld [smem:$0x3FB6]  }
0x2f: {  	lr =	sadd.s32 s0, s3;
	s0 =	sld [smem:$0x3FAD]  }
0x30: {  	s3 =	sld [smem:$0x3FB0]  }
0x31: {  	[smem:$0x3FB9] =	sst s10  }
0x32: {  	s10 =	sld [smem:$0x3FB7];
	_ =	sdelay $0x3  }
0x33: {  	p0 =	seq.s32 s10, $0x1;
	s10 =	sld [smem:$0x3FB9];
	_ =	sdelay $0x3  }
0x34: {  	[smem:$0x3FB9] =	sst s10  }
0x35: {  	s10 =	sld [smem:$0x3FB8];
	_ =	sdelay $0x3  }
0x36: {  	p1 =	seq.s32 s10, $0x1;
	s10 =	sld [smem:$0x3FB9];
	_ =	sdelay $0x3  }
0x37: {  	[smem:$0x3FB9] =	sst s10  }
0x38: {  	s10 =	sld [smem:$0x3FBA]  }
0x39: {  	_ = 	snop;
	(pc) =	sbr.ind lr, $3  }
0x3a: {  	_ = 	snop  }
0x3b: {  	_ = 	snop  }
0x3c: {  	p2 =	seq.s32 s10, $0x1;
	s10 =	sld [smem:$0x3FB9]  }
0x3d: {  	_ =	shalt  }
0x3e: {  	_ =	shalt  }
0x3f: {  	_ =	shalt  }
0x40: {  	_ =	shalt  }
0x41: {  	_ =	shalt  }
0x42: {  	_ =	shalt  }
0x43: {  	_ =	shalt  }
0x44: {  	_ =	shalt  }
0x45: {  	_ =	shalt  }
0x46: {  	_ =	shalt  }
0x47: {  	_ =	shalt  }
0x48: {  	_ =	shalt  }
0x49: {  	_ =	shalt  }
0x4a: {  	_ =	shalt  }
0x4b: {  	_ =	shalt  }
0x4c: {  	_ =	shalt  }
0x4d: {  	_ =	shalt  }
0x4e: {  	_ =	shalt  }
0x4f: {  	_ =	shalt  }
0x50: {  	_ =	shalt  }
0x51: {  	_ =	shalt  }
0x52: {  	_ =	shalt  }
0x53: {  	_ =	shalt  }
0x54: {  	_ =	shalt  }
0x55: {  	_ =	shalt  }
0x56: {  	_ =	shalt  }
0x57: {  	_ =	shalt  }
0x58: {  	_ =	shalt  }
0x59: {  	_ =	shalt  }
0x5a: {  	_ =	shalt  }
0x5b: {  	_ =	shalt  }
0x5c: {  	_ =	shalt  }
0x5d: {  	_ =	shalt  }
0x5e: {  	_ =	shalt  }
0x5f: {  	_ =	shalt  }
0x60: {  	_ =	shalt  }
0x61: {  	_ =	shalt  }
0x62: {  	_ =	shalt  }
0x63: {  	_ =	shalt  }
0x64: {  	_ =	shalt  }
0x65: {  	_ =	shalt  }
0x66: {  	_ =	shalt  }
0x67: {  	_ =	shalt  }
0x68: {  	_ =	shalt  }
0x69: {  	_ =	shalt  }
0x6a: {  	_ =	shalt  }
0x6b: {  	_ =	shalt  }
0x6c: {  	_ =	shalt  }
0x6d: {  	_ =	shalt  }
0x6e: {  	_ =	shalt  }
0x6f: {  	_ =	shalt  }
0x70: {  	_ =	shalt  }
0x71: {  	_ =	shalt  }
0x72: {  	_ =	shalt  }
0x73: {  	_ =	shalt  }
0x74: {  	_ =	shalt  }
0x75: {  	_ =	shalt  }
0x76: {  	_ =	shalt  }
0x77: {  	_ =	shalt  }
0x78: {  	_ =	shalt  }
0x79: {  	_ =	shalt  }
0x7a: {  	_ =	shalt  }
0x7b: {  	_ =	shalt  }
0x7c: {  	_ =	shalt  }
0x7d: {  	_ =	shalt  }
0x7e: {  	_ =	shalt  }
0x7f: {  	_ =	shalt  }
0x80: {  	_ =	shalt  }
0x81: {  	_ =	shalt  }
0x82: {  	_ =	shalt  }
0x83: {  	_ =	shalt  }
0x84: {  	_ =	shalt  }
0x85: {  	_ =	shalt  }
0x86: {  	_ =	shalt  }
0x87: {  	_ =	shalt  }
.Lfunc_end0:
.L_simem_size_0:
called_computation_lowered:
.L_overlay_start_0:
0x88: {  	s2 =	sld [smem:$0x3FD9]  }
0x89: {  	s3 =	sld [smem:$0x3FFE];
	_ =	sdelay $0x1  }
0x8a: {  	s1 =	srdreg.scid  }
0x8b: {  	s0 =	sand.u32 $0x1, s1  }
0x8c: {  	s17 =	sshll.u32 s0, $0xA;
	s2 =	sadd.s32 s3, s2  }
0x8d: {  	s2 =	sadd.s32 s2, s17  }
0x8e: {  	[smem:$0x3FC5] =	sst s2  }
0x8f: {  	_ = 	snop  }
0x90: {  	s2 =	sld [smem:$0x3FD0];
	(tm) =	ssettm $0x1  }
0x91: {  	s18 =	sld [smem:$0x3FFB];
	_ =	sdelay $0x3  }
0x92: {  	_ =	strace s18  }
0x93: {  	s3 =	sld [smem:$0x3FFC];
	_ =	sdelay $0x3  }
0x94: {  	_ =	strace s3  }
0x95: {  	s3 =	sld [smem:$0x3FFD];
	_ =	sdelay $0x3  }
0x96: {  	_ =	strace s3  }
0x97: {  	_ =	strace $0x8FFFFFFF  }
0x98: {  	s19 =	sld [smem:$0x3FDB];
	_ =	sdelay $0x1  }
0x99: {  	s4 =	simm.s32 $_scs_section_size  }
0x9a: {  	s5 =	simm.s32 $_size__tile_overlayer_lowered;
	s6 =	simm.s32 $_tile_overlayer_lowered  }
0x9b: {  	s22 =	simm.s32 $0x1BFF;
	s21 =	sshll.u32 s6, $0x1;
	s3 =	sadd.s32 s4, s19  }
0x9c: {  	s7 =	simm.s32 $0x0;
	s20 =	sshll.u32 s5, $0x1;
	s5 =	sadd.s32 s21, s3  }
0x9d: {  	[timem:s7], [sflag:s22] =	dma.local [hbm:s5], s20  }
0x9e: {  	_ =	swait.ge [sflag:s22], s20  }
0x9f: {  	s4 =	ssub.s32 $0x0, s20;
	[sflag:s22] =	ssyncset.done $0x0  }
0xa0: {  	[sflag:s22] =	ssyncadd.s32 s4;
	_ =	sdelay $0x1  }
0xa1: {  	s23 =	simm.s32 $0x1B8B  }
0xa2: {  	_ =	swait.ge [sflag:s23], $0x1  }
0xa3: {  	[sflag:s23] =	ssyncset.done $0x0  }
0xa4: {  	s25 =	simm.s32 $0x1B8E;
	s24 =	sld [smem:$0x3FFE];
	[sflag:s23] =	ssyncadd.s32 $0xFFFFFFFF  }
0xa5: {  	s26 =	simm.s32 $execute0_lowered;
	[smem:$0x3FD2] =	sst s25  }
0xa6: {  	s5 =	sshll.u32 s26, $0x1;
	_ =	strace $0x80000046;
	[dreg:$0x1] =	wrdreg $0xFFFFFFFF  }
0xa7: {  	s28 =	simm.s32 $_size_execute0_lowered;
	s3 =	sadd.s32 s3, s5;
	[dreg:$0x0] =	wrdreg $0x0  }
0xa8: {  	s5 =	sshll.u32 s28, $0x1;
	[dreg:$0x2] =	wrdreg s3  }
0xa9: {  	[dreg:$0x3] =	wrdreg s5  }
0xaa: {  	[dreg:$0x4] =	wrdreg $0xC0  }
0xab: {  	_ =	task [dreg:s7], $0x5FFFF  }
0xac: {  	[dreg:$0x1] =	wrdreg $0xFFFFFFFF  }
0xad: {  	[dreg:$0x0] =	wrdreg $0x60  }
0xae: {  	[dreg:$0x2] =	wrdreg s24  }
0xaf: {  	[dreg:$0x3] =	wrdreg s2  }
0xb0: {  	[dreg:$0x4] =	wrdreg $0x2B000  }
0xb1: {  	[dreg:$0x5] =	wrdreg $0x9  }
0xb2: {  	_ =	task.clear_ibuf [dreg:s7], $0x6FFFF;
	_ =	strace $0x90000046  }
0xb3: {  	s29 =	simm.s32 $0x9;
	_ =	strace $0x80000048  }
0xb4: {  	_ =	swait.ge [sflag:s29], $0x1  }
0xb5: {  	[sflag:s29] =	ssyncadd.s32 $0xFFFFFFFF  }
0xb6: {  	_ =	strace $0x90000048  }
0xb7: {  	_ =	sfence  }
0xb8: {  	s30 =	sld [smem:$0x0];
	_ =	sdelay $0x2  }
0xb9: {  	s31 =	sshll.u32 s1, $0xD;
	s1 =	sshrl.u32 s1, $0x2  }
0xba: {  	s3 =	sand.u32 $0x4000, s31;
	s1 =	sadd.s32 s1, s30  }
0xbb: {  	s0 =	sor.u32 s3, s0;
	s1 =	sshll.u32 s1, $0x11  }
0xbc: {  	s0 =	sor.u32 s1, s0  }
0xbd: {  	s0 =	sadd.s32 $0x8F2B, s0  }
0xbe: {  	[sflag:s0] =	ssyncadd.remote.s32 $0x1  }
0xbf: {  	_ =	sfence.sel $0xFFFF  }
0xc0: {  	[dreg:$0x0] =	wrdreg $0xFFFFFFFF;
	(pc) =	sbr.abs _section_cstart, $3  }
0xc1: {  	[dreg:$0x1] =	wrdreg $0xFFFFFFFF  }
0xc2: {  	_ =	task.clear_ibuf [dreg:s7], $0x2FFFF;
	_ =	strace $0x9FFFFFFF  }
0xc3: {  	(tm) =	ssettm $0x7FFFFFFF  }
tec
execute0_lowered:
.L_overlay_start_1:
0x0: {  	(tag) =	ssettag $0x1  }
0x1: {  	s4 =	rddreg [dreg:$0x0]  }
0x2: {  	s6 =	rddreg [dreg:$0x1]  }
0x3: {  	s2 =	rddreg [dreg:$0x2]  }
0x4: {  	s0 =	rddreg [dreg:$0x3]  }
0x5: {  	s3 =	srdreg.scid;
	s1 =	stileid.u32  }
0x6: {  	s11 =	simm.s32 $0x2800;
	s14 =	simm.s32 $0x0;
	s5 =	sand.u32 $0x1, s3  }
0x7: {  	s7 =	sshll.u32 s1, $0x1;
	s8 =	smul.u32 $0x280, s1;
	s3 =	simm.s32 $0x0  }
0x8: {  	s12 =	sshll.u32 s1, $0x6;
	s7 =	sor.u32 s5, s7;
	s9 =	smul.u32 $0x2800, s5  }
0x9: {  	[smem:$0x7FF] =	sst s3;
	s5 =	ssub.s32 $0x2, s5;
	s7 =	smul.u32 $0x500, s7  }
0xa: {  	s12 =	sor.u32 $0x1C01, s12;
	_ =	strace $0x80000047;
	s10 =	sshrl.u32 s5, $0x1  }
0xb: {  	s9 =	sadd.s32 s8, s9;
	s10 =	ssub.s32 s5, s10;
	s7 =	sadd.s32 s7, s4  }
0xc: {  	s9 =	sshrl.u32 s9, $0x3;
	s4 =	sadd.s32 s8, s2;
	s8 =	simm.s32 $0x2880  }
0xd: {  	s5 =	sadd.s32 $0x1000, s7;
	s6 =	sadd.s32 s6, s9;
	s7 =	smax.u32 s10, $0x1  }
0xe: {  	v0 =	vimm.f32 $1.000000000e+00;
	v1 =	vimm.f32 $0.0e+00;
	s9 =	simm.s32 $0x1;
	s10 =	simm.s32 $0x80;
	s13 =	sshrl.u32 s4, $0x3  }
.LBB2_1:
0xf: {  	[tilespmem:$0x2800] =	vst v0  }
0x10: {  	[tilespmem:$0x2810] =	vst v0  }
0x11: {  	[tilespmem:$0x2820] =	vst v0  }
0x12: {  	[tilespmem:$0x2830] =	vst v0  }
0x13: {  	[tilespmem:$0x2840] =	vst v0  }
0x14: {  	[tilespmem:$0x2850] =	vst v0  }
0x15: {  	[tilespmem:$0x2860] =	vst v0  }
0x16: {  	[tilespmem:$0x2870] =	vst v0  }
0x17: {  	[tilespmem:$0x2880] =	vst v1  }
0x18: {  	[tilespmem:$0x2890] =	vst v1  }
0x19: {  	[tilespmem:$0x28A0] =	vst v1  }
0x1a: {  	[tilespmem:$0x28B0] =	vst v1  }
0x1b: {  	[tilespmem:$0x28C0] =	vst v1  }
0x1c: {  	[tilespmem:$0x28D0] =	vst v1  }
0x1d: {  	[tilespmem:$0x28E0] =	vst v1  }
0x1e: {  	[tilespmem:$0x28F0] =	vst v1  }
0x1f: {  	[tilespmem:$0x2900] =	vst v1  }
0x20: {  	[tilespmem:$0x2910] =	vst v1  }
0x21: {  	[tilespmem:$0x2920] =	vst v1  }
0x22: {  	[tilespmem:$0x2930] =	vst v1  }
0x23: {  	[tilespmem:$0x2940] =	vst v1  }
0x24: {  	[tilespmem:$0x2950] =	vst v1  }
0x25: {  	[tilespmem:$0x2960] =	vst v1  }
0x26: {  	[tilespmem:$0x2970] =	vst v1  }
0x27: {  	[tilespmem:$0x2980] =	vst v1  }
0x28: {  	[tilespmem:$0x2990] =	vst v1  }
0x29: {  	[tilespmem:$0x29A0] =	vst v1  }
0x2a: {  	[tilespmem:$0x29B0] =	vst v1  }
0x2b: {  	[tilespmem:$0x29C0] =	vst v1  }
0x2c: {  	[tilespmem:$0x29D0] =	vst v1  }
0x2d: {  	[tilespmem:$0x29E0] =	vst v1  }
0x2e: {  	[tilespmem:$0x29F0] =	vst v1  }
0x2f: {  	[tilespmem:$0x2A00] =	vst v1  }
0x30: {  	[tilespmem:$0x2A10] =	vst v1  }
0x31: {  	[tilespmem:$0x2A20] =	vst v1  }
0x32: {  	[tilespmem:$0x2A30] =	vst v1  }
0x33: {  	[tilespmem:$0x2A40] =	vst v1  }
0x34: {  	[tilespmem:$0x2A50] =	vst v1  }
0x35: {  	[tilespmem:$0x2A60] =	vst v1  }
0x36: {  	[tilespmem:$0x2A70] =	vst v1  }
0x37: {  	[tilespmem:$0x2A80] =	vst v1  }
0x38: {  	[tilespmem:$0x2A90] =	vst v1  }
0x39: {  	[tilespmem:$0x2AA0] =	vst v1  }
0x3a: {  	[tilespmem:$0x2AB0] =	vst v1  }
0x3b: {  	[tilespmem:$0x2AC0] =	vst v1  }
0x3c: {  	[tilespmem:$0x2AD0] =	vst v1  }
0x3d: {  	[tilespmem:$0x2AE0] =	vst v1  }
0x3e: {  	[tilespmem:$0x2AF0] =	vst v1  }
0x3f: {  	[spmem:s4] =	stream.linear.scatter [tilespmem:s8], [sflag:$0x1], $0x280, $0x38;
	[tilespmem:$0x2D80] =	vst v63  }
0x40: {  	_ =	swait.ge [sflag:s9], $0x280  }
0x41: {  	[sflag:s9] =	ssyncset.done $0x0  }
0x42: {  	[sflag:s9] =	ssyncadd.s32 $0xFFFFFD80  }
0x43: {  	[bflag:$0x0] =	sbarrier.arrive $0xFFFF  }
0x44: {  	[tilespmem:s3], [sflag:$0x1] =	stream.linear.gather [hbm4b:s5+s3], $0x2800, $0x38;
	[tilespmem:$0x2D80] =	vst v63  }
0x45: {  	_ =	swait.ge [sflag:s9], $0x2800  }
0x46: {  	[sflag:s9] =	ssyncset.done $0x0  }
0x47: {  	s15 =	simm.s32 $0x0;
	[sflag:s9] =	ssyncadd.s32 $0xFFFFD800  }
0x48: {  	[spmem:s2] =	stream.indirect.scatter.add.f32 [tilespmem:s11], [sflag:$0x1], $0x1, s15, s10, $0xb8;
	[tilespmem:$0x2D80] =	vst v63  }
0x49: {  	_ =	swait.ge [sflag:s9], $0x80  }
0x4a: {  	s15 =	simm.s32 $0x200;
	[sflag:s9] =	ssyncset.done $0x0  }
.LBB2_2:
0x4b: {  	s16 =	sshra.s32 s15, $0x2;
	[sflag:s9] =	ssyncadd.s32 $0xFFFFFF80;
	p0 =	sne.s32 s15, $0x9E00  }
0x4c: {  	[spmem:s2] =	stream.indirect.scatter.add.f32 [tilespmem:s11], [sflag:$0x1], $0x1, s16, s10, $0xb8;
	[tilespmem:$0x2D80] =	vst v63  }
.Ltmp0:
0x4d: {  	_ = 	snop;
	(pc) =	sbr.rel @p0 .LBB2_2-.Ltmp0, $4  }
0x4e: {  	_ = 	snop  }
0x4f: {  	s15 =	sadd.s32 $0x200, s15  }
0x50: {  	_ =	swait.ge [sflag:s9], $0x80  }
0x51: {  	[sflag:s9] =	ssyncset.done $0x0  }
0x52: {  	s14 =	sadd.s32 $0x1, s14  }
0x53: {  	[sflag:s9] =	ssyncadd.s32 $0xFFFFFF80;
	p0 =	sne.s32 s14, s7  }
.Ltmp1:
0x54: {  	[bflag:$0x0] =	sbarrier.arrive $0xFFFF;
	(pc) =	sbr.rel @p0 .LBB2_1-.Ltmp1, $4  }
0x55: {  	[hbm:s6], [sflag:s12] =	dma.local [spmem:s13], $0x50  }
0x56: {  	_ =	swait.ge [sflag:s9], $0x50  }
0x57: {  	[sflag:s9] =	ssyncset.done $0x0  }
0x58: {  	[sflag:s9] =	ssyncadd.s32 $0xFFFFFFB0  }
0x59: {  	_ =	sfence.sel $0x180000  }
0x5a: {  	[bflag:$0x0] =	sbarrier.arrive $0xFFFF  }
0x5b: {  	p0 =	sne.s32 s1, $0x0;
	_ =	strace $0x90000047  }
0x5c: {  	s0 =	sadd.s32 @!p0 $0x100000, s0;
	[bflag:$0x2] =	sbarrier.arrive $0xFFFF  }
0x5d: {  	[sflag:s0] =	ssyncadd.tile.s32 @!p0 $0x1;
	_ =	shalt  }
.Lfunc_end2:
_tile_overlayer_lowered:
.L_overlay_start_2:
0x5e: {  	(tag) =	ssettag $0x2  }
0x5f: {  	s0 =	rddreg [dreg:$0x0];
	s2 =	stileid.u32  }
0x60: {  	s1 =	rddreg [dreg:$0x1];
	p0 =	sne.s32 s2, $0x0  }
0x61: {  	s3 =	rddreg [dreg:$0x2];
	[bflag:$0x3] =	sbarrier.arrive $0xFFFF;
	s2 =	simm.s32 @!p0 $0x1C01  }
0x62: {  	[timem:s3], [sflag:s2] =	dma.local @!p0 [hbm:s0], s1  }
0x63: {  	s0 =	simm.s32 @!p0 $0x1  }
0x64: {  	_ =	swait.ge @!p0 [sflag:s0], s1  }
0x65: {  	s1 =	ssub.s32 @!p0 $0x0, s1;
	[sflag:s0] =	ssyncset.done @!p0 $0x0  }
0x66: {  	[sflag:s0] =	ssyncadd.s32 @!p0 s1  }
0x67: {  	[bflag:$0x3] =	sbarrier.arrive $0xFFFF  }
0x68: {  	_ =	shalt  }

</sc_bundles>
